<compile_context>
chip_gen: v7x
topology: tpu7x:2x2x1
jax: 0.10.2.dev20260603
libtpu: 0.0.44.dev20260713+nightly
codegen_flags: <defaults>
</compile_context>

<pallas_src>
import functools

import jax
import jax.numpy as jnp
from jax import lax
from jax.experimental import pallas as pl
from jax.experimental.pallas import tpu as pltpu
from jax.experimental.pallas import tpu_sc as plsc


def kernel(tokenized_prompts, ctx, token_embedding):
    n_cls, seq = tokenized_prompts.shape
    n_ctx, d = ctx.shape
    n_suf = seq - 1 - n_ctx
    ng = 1 + n_suf

    tok_c = jnp.concatenate(
        [tokenized_prompts[:, :1], tokenized_prompts[:, 1 + n_ctx:]], axis=1)

    info = plsc.get_sparse_core_info()
    nc, ns = info.num_cores, info.num_subcores
    nw = nc * ns
    per_w = n_cls // nw
    nbuf = 3

    mesh = plsc.VectorSubcoreMesh(core_axis_name="c", subcore_axis_name="s")

    @functools.partial(
        pl.kernel,
        out_type=jax.ShapeDtypeStruct((n_cls, seq, d), jnp.float32),
        mesh=mesh,
        scratch_types=[
            pltpu.VMEM((per_w, ng), jnp.int32),
            pltpu.VMEM((nbuf, ng, d), jnp.float32),
            pltpu.VMEM((n_ctx, d), jnp.float32),
            [pltpu.SemaphoreType.DMA] * nbuf,
            [pltpu.SemaphoreType.DMA] * nbuf,
        ],
        compiler_params=pltpu.CompilerParams(use_tc_tiling_on_sc=False),
    )
    def _gather_kernel(tok_hbm, ctx_hbm, table_hbm, out_hbm,
                       idx_v, rows_v, ctx_v, gsems, ssems):
        wid = lax.axis_index("s") * nc + lax.axis_index("c")
        base = wid * per_w

        pltpu.sync_copy(ctx_hbm, ctx_v)
        pltpu.sync_copy(tok_hbm.at[pl.ds(base, per_w)], idx_v)

        def issue_gather(k, b):
            pltpu.async_copy(
                table_hbm.at[idx_v.at[k]], rows_v.at[b], gsems[b])

        def store_descs(k, b):
            row = out_hbm.at[base + k]
            return (
                (rows_v.at[b, pl.ds(0, 1)], row.at[pl.ds(0, 1)]),
                (ctx_v, row.at[pl.ds(1, n_ctx)]),
                (rows_v.at[b, pl.ds(1, n_suf)], row.at[pl.ds(1 + n_ctx, n_suf)]),
            )

        issue_gather(0, 0)

        @pl.loop(0, per_w, step=nbuf)
        def _body(n):
            for b in range(nbuf):
                k = n + b
                bn = (b + 1) % nbuf

                @pl.when(k < per_w)
                def _():
                    pltpu.make_async_copy(
                        table_hbm.at[idx_v.at[k]], rows_v.at[b], gsems[b]
                    ).wait()
                    for src, dst in store_descs(k, b):
                        pltpu.async_copy(src, dst, ssems[b])

                @pl.when(k >= 2)
                def _():
                    for src, dst in store_descs(k - 2, bn):
                        pltpu.make_async_copy(src, dst, ssems[bn]).wait()

                @pl.when(k + 1 < per_w)
                def _():
                    issue_gather(k + 1, bn)

        for k in range(max(0, per_w - 1), per_w):
            b = k % nbuf
            for src, dst in store_descs(k, b):
                pltpu.make_async_copy(src, dst, ssems[b]).wait()

    return _gather_kernel(tok_c, ctx, token_embedding)

# --- scband reference (transcript-rebuilt; emitter-appended) ---
"""Pipeline reference for scband-vlprompt-learner-42760694399537 (READ-ONLY COPY).

The authoritative reference and input builder live on the scoring server;
editing this copy changes nothing except your own understanding.
"""

import jax, jax.numpy as jnp
import numpy as np

N_CLS = 4096
N_CTX = 4
CTX_DIM = 512
VOCAB = 49408
SEQ = 77


def setup_inputs(seed: int = 0) -> dict:
    key = jax.random.key(seed)
    k1, k2, k3 = jax.random.split(key, 3)
    tokenized_prompts = jax.random.randint(k1, (N_CLS, SEQ), 0, VOCAB, dtype=jnp.int64 if jax.config.read('jax_enable_x64') else jnp.int32).astype(jnp.int32)
    ctx = 0.02 * jax.random.normal(k2, (N_CTX, CTX_DIM), dtype=jnp.float32)
    token_embedding = 0.02 * jax.random.normal(k3, (VOCAB, CTX_DIM), dtype=jnp.float32)
    return {"tokenized_prompts": tokenized_prompts, "ctx": ctx, "token_embedding": token_embedding}


def reference(tokenized_prompts, ctx, token_embedding):
    # embedding = self.clip_model_zs.token_embedding(tokenized_prompts)
    embedding = jnp.take(token_embedding, tokenized_prompts, axis=0)  # [N, SEQ, D]
    # ctx.dim() == 2 -> unsqueeze(0).expand(len(tokenized_prompts), -1, -1)
    n = tokenized_prompts.shape[0]
    ctx_exp = jnp.broadcast_to(ctx[None, :, :], (n, N_CTX, CTX_DIM))
    prefix = embedding[:, :1, :]            # SOS token embedding
    suffix = embedding[:, 1 + N_CTX:, :]    # class tokens + EOS
    # construct_prompts: cat([prefix, ctx, suffix], dim=1)
    prompts = jnp.concatenate([prefix, ctx_exp, suffix], axis=1)  # [N, SEQ, D]
    return prompts

if __name__ == "__main__":
    import jax
    _d = setup_inputs()
    print(jax.jit(kernel)(*tuple(_d.values())))

</pallas_src>

<mosaic_0001>
#map = affine_map<(d0, d1) -> (0, 0)>
#map1 = affine_map<(d0, d1) -> (0, 0, 0)>
module attributes {stable_mosaic.version = 14 : i64} {
  func.func @_gather_kernel(%arg0: i32, %arg1: i32, %arg2: memref<4096x73xi32, #tpu.memory_space<hbm>>, %arg3: memref<4x512xf32, #tpu.memory_space<hbm>>, %arg4: memref<49408x512xf32, #tpu.memory_space<hbm>>, %arg5: memref<4096x77x512xf32, #tpu.memory_space<hbm>>, %arg6: memref<128x73xi32, #tpu.memory_space<vmem>>, %arg7: memref<3x73x512xf32, #tpu.memory_space<vmem>>, %arg8: memref<4x512xf32, #tpu.memory_space<vmem>>, %arg9: memref<!tpu.dma_semaphore, #tpu.memory_space<semaphore_mem>>, %arg10: memref<!tpu.dma_semaphore, #tpu.memory_space<semaphore_mem>>, %arg11: memref<!tpu.dma_semaphore, #tpu.memory_space<semaphore_mem>>, %arg12: memref<!tpu.dma_semaphore, #tpu.memory_space<semaphore_mem>>, %arg13: memref<!tpu.dma_semaphore, #tpu.memory_space<semaphore_mem>>, %arg14: memref<!tpu.dma_semaphore, #tpu.memory_space<semaphore_mem>>) attributes {dimension_semantics = [#tpu.dimension_semantics<core_parallel>, #tpu.dimension_semantics<subcore_parallel>], iteration_bounds = array<i64: 2, 16>, scalar_prefetch = 0 : i64, scratch_operands = 9 : i64, tpu.core_type = #tpu.core_type<sc_vector_subcore>, window_params = [{transform_indices = #map}, {transform_indices = #map}, {transform_indices = #map}, {transform_indices = #map1}]} {
    %mul3A = arith.constant 2 : i32
    %mul3A_0 = arith.muli %arg1, %mul3A : i32
    %add3A = arith.addi %mul3A_0, %arg0 : i32
    %mul3A_1 = arith.constant 128 : i32
    %mul3A_2 = arith.muli %add3A, %mul3A_1 : i32
    "tpu.region"() ({
      %run_scoped3A = tpu.sem_alloc : memref<!tpu.dma_semaphore, #tpu.memory_space<semaphore_mem>>
      tpu.enqueue_dma source(%arg3 : memref<4x512xf32, #tpu.memory_space<hbm>>) target(%arg8 : memref<4x512xf32, #tpu.memory_space<vmem>>) target_semaphore(%run_scoped3A : memref<!tpu.dma_semaphore, #tpu.memory_space<semaphore_mem>>)
      tpu.wait_dma2 semaphore(%run_scoped3A : memref<!tpu.dma_semaphore, #tpu.memory_space<semaphore_mem>>) src(%arg3 : memref<4x512xf32, #tpu.memory_space<hbm>>) dst(%arg8 : memref<4x512xf32, #tpu.memory_space<vmem>>)
      tpu.yield
    }) : () -> ()
    "tpu.region"() ({
      %run_scoped3A = tpu.sem_alloc : memref<!tpu.dma_semaphore, #tpu.memory_space<semaphore_mem>>
      %dma_start3A_79 = arith.constant 0 : i32
      %dma_start3A_80 = tpu.memref_slice %arg2[%mul3A_2, %dma_start3A_79] : memref<4096x73xi32, #tpu.memory_space<hbm>> -> memref<128x73xi32, #tpu.memory_space<hbm>>
      %dma_start3A_81 = arith.constant 0 : i32
      %dma_start3A_82 = tpu.memref_slice %arg2[%mul3A_2, %dma_start3A_81] : memref<4096x73xi32, #tpu.memory_space<hbm>> -> memref<128x73xi32, #tpu.memory_space<hbm>>
      tpu.enqueue_dma source(%dma_start3A_82 : memref<128x73xi32, #tpu.memory_space<hbm>>) target(%arg6 : memref<128x73xi32, #tpu.memory_space<vmem>>) target_semaphore(%run_scoped3A : memref<!tpu.dma_semaphore, #tpu.memory_space<semaphore_mem>>)
      %dma_wait3A_83 = arith.constant 0 : i32
      %dma_wait3A_84 = tpu.memref_slice %arg2[%mul3A_2, %dma_wait3A_83] : memref<4096x73xi32, #tpu.memory_space<hbm>> -> memref<128x73xi32, #tpu.memory_space<hbm>>
      %dma_wait3A_85 = arith.constant 0 : i32
      %dma_wait3A_86 = tpu.memref_slice %arg2[%mul3A_2, %dma_wait3A_85] : memref<4096x73xi32, #tpu.memory_space<hbm>> -> memref<128x73xi32, #tpu.memory_space<hbm>>
      tpu.wait_dma2 semaphore(%run_scoped3A : memref<!tpu.dma_semaphore, #tpu.memory_space<semaphore_mem>>) src(%dma_wait3A_86 : memref<128x73xi32, #tpu.memory_space<hbm>>) dst(%arg6 : memref<128x73xi32, #tpu.memory_space<vmem>>)
      tpu.yield
    }) : () -> ()
    %dma_start3A = arith.constant 0 : i32
    %dma_start3A_3 = arith.constant 0 : i32
    %dma_start3A_4 = arith.constant 0 : i32
    %dma_start3A_5 = arith.constant 0 : i32
    %dma_start3A_6 = tpu.memref_slice %arg7[%dma_start3A_3, %dma_start3A_4, %dma_start3A_5] : memref<3x73x512xf32, #tpu.memory_space<vmem>> -> memref<1x73x512xf32, #tpu.memory_space<vmem>>
    %dma_start3A_7 = tpu.memref_squeeze %dma_start3A_6 : memref<1x73x512xf32, #tpu.memory_space<vmem>> -> memref<73x512xf32, #tpu.memory_space<vmem>>
    %dma_start3A_8 = arith.constant 0 : i32
    %dma_start3A_9 = tpu.memref_slice %arg6[%dma_start3A, %dma_start3A_8] : memref<128x73xi32, #tpu.memory_space<vmem>> -> memref<1x73xi32, #tpu.memory_space<vmem>>
    %dma_start3A_10 = tpu.memref_squeeze %dma_start3A_9 : memref<1x73xi32, #tpu.memory_space<vmem>> -> memref<73xi32, #tpu.memory_space<vmem>>
    %dma_start3A_11 = arith.constant 0 : i32
    %dma_start3A_12 = arith.constant 0 : i32
    %dma_start3A_13 = tpu.memref_slice %arg4[%dma_start3A_11, %dma_start3A_12] : memref<49408x512xf32, #tpu.memory_space<hbm>> -> memref<49408x512xf32, #tpu.memory_space<hbm>>
    tpu.enqueue_indirect_dma source(%dma_start3A_13 : memref<49408x512xf32, #tpu.memory_space<hbm>>) target(%dma_start3A_7 : memref<73x512xf32, #tpu.memory_space<vmem>>) offsets(%dma_start3A_10 : memref<73xi32, #tpu.memory_space<vmem>>) semaphore(%arg9 : memref<!tpu.dma_semaphore, #tpu.memory_space<semaphore_mem>>)
    %scan3A = arith.constant 0 : i32
    %scan3A_14 = arith.constant 43 : i32
    %scan3A_15 = arith.addi %scan3A, %scan3A_14 : i32
    %scan3A_16 = arith.constant 1 : i32
    scf.for %scan3A_79 = %scan3A to %scan3A_15 step %scan3A_16  : i32 {
      %mul3A_80 = arith.constant 3 : i32
      %mul3A_81 = arith.muli %scan3A_79, %mul3A_80 : i32
      %add3A_82 = arith.constant 0 : i32
      %add3A_83 = arith.addi %add3A_82, %mul3A_81 : i32
      %add3A_84 = arith.constant 0 : i32
      %add3A_85 = arith.addi %add3A_83, %add3A_84 : i32
      %lt3A = arith.constant 128 : i32
      %lt3A_86 = arith.cmpi slt, %add3A_85, %lt3A : i32
      %convert_element_type3A = arith.extui %lt3A_86 : i1 to i32
      %cond3A = arith.constant 0 : i32
      %cond3A_87 = arith.cmpi ne, %convert_element_type3A, %cond3A : i32
      scf.if %cond3A_87 {
        %dma_wait3A_137 = arith.constant 0 : i32
        %dma_wait3A_138 = arith.constant 0 : i32
        %dma_wait3A_139 = arith.constant 0 : i32
        %dma_wait3A_140 = tpu.memref_slice %arg7[%dma_wait3A_137, %dma_wait3A_138, %dma_wait3A_139] : memref<3x73x512xf32, #tpu.memory_space<vmem>> -> memref<1x73x512xf32, #tpu.memory_space<vmem>>
        %dma_wait3A_141 = tpu.memref_squeeze %dma_wait3A_140 : memref<1x73x512xf32, #tpu.memory_space<vmem>> -> memref<73x512xf32, #tpu.memory_space<vmem>>
        %dma_wait3A_142 = arith.constant 0 : i32
        %dma_wait3A_143 = tpu.memref_slice %arg6[%add3A_85, %dma_wait3A_142] : memref<128x73xi32, #tpu.memory_space<vmem>> -> memref<1x73xi32, #tpu.memory_space<vmem>>
        %dma_wait3A_144 = tpu.memref_squeeze %dma_wait3A_143 : memref<1x73xi32, #tpu.memory_space<vmem>> -> memref<73xi32, #tpu.memory_space<vmem>>
        %dma_wait3A_145 = arith.constant 0 : i32
        %dma_wait3A_146 = arith.constant 0 : i32
        %dma_wait3A_147 = tpu.memref_slice %arg4[%dma_wait3A_145, %dma_wait3A_146] : memref<49408x512xf32, #tpu.memory_space<hbm>> -> memref<49408x512xf32, #tpu.memory_space<hbm>>
        tpu.wait_indirect_dma semaphore(%arg9 : memref<!tpu.dma_semaphore, #tpu.memory_space<semaphore_mem>>) src(%dma_wait3A_147 : memref<49408x512xf32, #tpu.memory_space<hbm>>) dst(%dma_wait3A_141 : memref<73x512xf32, #tpu.memory_space<vmem>>)
        %add3A_148 = arith.addi %mul3A_2, %add3A_85 : i32
        %dma_start3A_149 = arith.constant 0 : i32
        %dma_start3A_150 = arith.constant 0 : i32
        %dma_start3A_151 = arith.constant 0 : i32
        %dma_start3A_152 = tpu.memref_slice %arg7[%dma_start3A_149, %dma_start3A_150, %dma_start3A_151] : memref<3x73x512xf32, #tpu.memory_space<vmem>> -> memref<1x1x512xf32, #tpu.memory_space<vmem>>
        %dma_start3A_153 = tpu.memref_squeeze %dma_start3A_152 : memref<1x1x512xf32, #tpu.memory_space<vmem>> -> memref<1x512xf32, #tpu.memory_space<vmem>>
        %dma_start3A_154 = arith.constant 0 : i32
        %dma_start3A_155 = arith.constant 0 : i32
        %dma_start3A_156 = tpu.memref_slice %arg5[%add3A_148, %dma_start3A_154, %dma_start3A_155] : memref<4096x77x512xf32, #tpu.memory_space<hbm>> -> memref<1x77x512xf32, #tpu.memory_space<hbm>>
        %dma_start3A_157 = tpu.memref_squeeze %dma_start3A_156 : memref<1x77x512xf32, #tpu.memory_space<hbm>> -> memref<77x512xf32, #tpu.memory_space<hbm>>
        %dma_start3A_158 = arith.constant 0 : i32
        %dma_start3A_159 = arith.constant 0 : i32
        %dma_start3A_160 = tpu.memref_slice %dma_start3A_157[%dma_start3A_158, %dma_start3A_159] : memref<77x512xf32, #tpu.memory_space<hbm>> -> memref<1x512xf32, #tpu.memory_space<hbm>>
        %dma_start3A_161 = arith.constant 0 : i32
        %dma_start3A_162 = arith.constant 0 : i32
        %dma_start3A_163 = tpu.memref_slice %arg5[%add3A_148, %dma_start3A_161, %dma_start3A_162] : memref<4096x77x512xf32, #tpu.memory_space<hbm>> -> memref<1x77x512xf32, #tpu.memory_space<hbm>>
        %dma_start3A_164 = tpu.memref_squeeze %dma_start3A_163 : memref<1x77x512xf32, #tpu.memory_space<hbm>> -> memref<77x512xf32, #tpu.memory_space<hbm>>
        %dma_start3A_165 = arith.constant 0 : i32
        %dma_start3A_166 = arith.constant 0 : i32
        %dma_start3A_167 = tpu.memref_slice %dma_start3A_164[%dma_start3A_165, %dma_start3A_166] : memref<77x512xf32, #tpu.memory_space<hbm>> -> memref<1x512xf32, #tpu.memory_space<hbm>>
        %dma_start3A_168 = arith.constant 0 : i32
        %dma_start3A_169 = arith.constant 0 : i32
        %dma_start3A_170 = tpu.memref_slice %arg7[%dma_start3A_149, %dma_start3A_168, %dma_start3A_169] : memref<3x73x512xf32, #tpu.memory_space<vmem>> -> memref<1x1x512xf32, #tpu.memory_space<vmem>>
        %dma_start3A_171 = tpu.memref_squeeze %dma_start3A_170 : memref<1x1x512xf32, #tpu.memory_space<vmem>> -> memref<1x512xf32, #tpu.memory_space<vmem>>
        tpu.enqueue_dma source(%dma_start3A_171 : memref<1x512xf32, #tpu.memory_space<vmem>>) target(%dma_start3A_167 : memref<1x512xf32, #tpu.memory_space<hbm>>) target_semaphore(%arg12 : memref<!tpu.dma_semaphore, #tpu.memory_space<semaphore_mem>>)
        %dma_start3A_172 = arith.constant 0 : i32
        %dma_start3A_173 = arith.constant 0 : i32
        %dma_start3A_174 = tpu.memref_slice %arg5[%add3A_148, %dma_start3A_172, %dma_start3A_173] : memref<4096x77x512xf32, #tpu.memory_space<hbm>> -> memref<1x77x512xf32, #tpu.memory_space<hbm>>
        %dma_start3A_175 = tpu.memref_squeeze %dma_start3A_174 : memref<1x77x512xf32, #tpu.memory_space<hbm>> -> memref<77x512xf32, #tpu.memory_space<hbm>>
        %dma_start3A_176 = arith.constant 1 : i32
        %dma_start3A_177 = arith.constant 0 : i32
        %dma_start3A_178 = tpu.memref_slice %dma_start3A_175[%dma_start3A_176, %dma_start3A_177] : memref<77x512xf32, #tpu.memory_space<hbm>> -> memref<4x512xf32, #tpu.memory_space<hbm>>
        %dma_start3A_179 = arith.constant 0 : i32
        %dma_start3A_180 = arith.constant 0 : i32
        %dma_start3A_181 = tpu.memref_slice %arg5[%add3A_148, %dma_start3A_179, %dma_start3A_180] : memref<4096x77x512xf32, #tpu.memory_space<hbm>> -> memref<1x77x512xf32, #tpu.memory_space<hbm>>
        %dma_start3A_182 = tpu.memref_squeeze %dma_start3A_181 : memref<1x77x512xf32, #tpu.memory_space<hbm>> -> memref<77x512xf32, #tpu.memory_space<hbm>>
        %dma_start3A_183 = arith.constant 1 : i32
        %dma_start3A_184 = arith.constant 0 : i32
        %dma_start3A_185 = tpu.memref_slice %dma_start3A_182[%dma_start3A_183, %dma_start3A_184] : memref<77x512xf32, #tpu.memory_space<hbm>> -> memref<4x512xf32, #tpu.memory_space<hbm>>
        tpu.enqueue_dma source(%arg8 : memref<4x512xf32, #tpu.memory_space<vmem>>) target(%dma_start3A_185 : memref<4x512xf32, #tpu.memory_space<hbm>>) target_semaphore(%arg12 : memref<!tpu.dma_semaphore, #tpu.memory_space<semaphore_mem>>)
        %dma_start3A_186 = arith.constant 0 : i32
        %dma_start3A_187 = arith.constant 1 : i32
        %dma_start3A_188 = arith.constant 0 : i32
        %dma_start3A_189 = tpu.memref_slice %arg7[%dma_start3A_186, %dma_start3A_187, %dma_start3A_188] : memref<3x73x512xf32, #tpu.memory_space<vmem>> -> memref<1x72x512xf32, #tpu.memory_space<vmem>>
        %dma_start3A_190 = tpu.memref_squeeze %dma_start3A_189 : memref<1x72x512xf32, #tpu.memory_space<vmem>> -> memref<72x512xf32, #tpu.memory_space<vmem>>
        %dma_start3A_191 = arith.constant 0 : i32
        %dma_start3A_192 = arith.constant 0 : i32
        %dma_start3A_193 = tpu.memref_slice %arg5[%add3A_148, %dma_start3A_191, %dma_start3A_192] : memref<4096x77x512xf32, #tpu.memory_space<hbm>> -> memref<1x77x512xf32, #tpu.memory_space<hbm>>
        %dma_start3A_194 = tpu.memref_squeeze %dma_start3A_193 : memref<1x77x512xf32, #tpu.memory_space<hbm>> -> memref<77x512xf32, #tpu.memory_space<hbm>>
        %dma_start3A_195 = arith.constant 5 : i32
        %dma_start3A_196 = arith.constant 0 : i32
        %dma_start3A_197 = tpu.memref_slice %dma_start3A_194[%dma_start3A_195, %dma_start3A_196] : memref<77x512xf32, #tpu.memory_space<hbm>> -> memref<72x512xf32, #tpu.memory_space<hbm>>
        %dma_start3A_198 = arith.constant 0 : i32
        %dma_start3A_199 = arith.constant 0 : i32
        %dma_start3A_200 = tpu.memref_slice %arg5[%add3A_148, %dma_start3A_198, %dma_start3A_199] : memref<4096x77x512xf32, #tpu.memory_space<hbm>> -> memref<1x77x512xf32, #tpu.memory_space<hbm>>
        %dma_start3A_201 = tpu.memref_squeeze %dma_start3A_200 : memref<1x77x512xf32, #tpu.memory_space<hbm>> -> memref<77x512xf32, #tpu.memory_space<hbm>>
        %dma_start3A_202 = arith.constant 5 : i32
        %dma_start3A_203 = arith.constant 0 : i32
        %dma_start3A_204 = tpu.memref_slice %dma_start3A_201[%dma_start3A_202, %dma_start3A_203] : memref<77x512xf32, #tpu.memory_space<hbm>> -> memref<72x512xf32, #tpu.memory_space<hbm>>
        %dma_start3A_205 = arith.constant 1 : i32
        %dma_start3A_206 = arith.constant 0 : i32
        %dma_start3A_207 = tpu.memref_slice %arg7[%dma_start3A_186, %dma_start3A_205, %dma_start3A_206] : memref<3x73x512xf32, #tpu.memory_space<vmem>> -> memref<1x72x512xf32, #tpu.memory_space<vmem>>
        %dma_start3A_208 = tpu.memref_squeeze %dma_start3A_207 : memref<1x72x512xf32, #tpu.memory_space<vmem>> -> memref<72x512xf32, #tpu.memory_space<vmem>>
        tpu.enqueue_dma source(%dma_start3A_208 : memref<72x512xf32, #tpu.memory_space<vmem>>) target(%dma_start3A_204 : memref<72x512xf32, #tpu.memory_space<hbm>>) target_semaphore(%arg12 : memref<!tpu.dma_semaphore, #tpu.memory_space<semaphore_mem>>)
      } else {
      }
      %ge3A = arith.constant 2 : i32
      %ge3A_88 = arith.cmpi sge, %add3A_85, %ge3A : i32
      %convert_element_type3A_89 = arith.extui %ge3A_88 : i1 to i32
      %cond3A_90 = arith.constant 0 : i32
      %cond3A_91 = arith.cmpi ne, %convert_element_type3A_89, %cond3A_90 : i32
      scf.if %cond3A_91 {
        %sub3A = arith.constant 2 : i32
        %sub3A_137 = arith.subi %add3A_85, %sub3A : i32
        %add3A_138 = arith.addi %mul3A_2, %sub3A_137 : i32
        %dma_wait3A_139 = arith.constant 1 : i32
        %dma_wait3A_140 = arith.constant 0 : i32
        %dma_wait3A_141 = arith.constant 0 : i32
        %dma_wait3A_142 = tpu.memref_slice %arg7[%dma_wait3A_139, %dma_wait3A_140, %dma_wait3A_141] : memref<3x73x512xf32, #tpu.memory_space<vmem>> -> memref<1x1x512xf32, #tpu.memory_space<vmem>>
        %dma_wait3A_143 = tpu.memref_squeeze %dma_wait3A_142 : memref<1x1x512xf32, #tpu.memory_space<vmem>> -> memref<1x512xf32, #tpu.memory_space<vmem>>
        %dma_wait3A_144 = arith.constant 0 : i32
        %dma_wait3A_145 = arith.constant 0 : i32
        %dma_wait3A_146 = tpu.memref_slice %arg5[%add3A_138, %dma_wait3A_144, %dma_wait3A_145] : memref<4096x77x512xf32, #tpu.memory_space<hbm>> -> memref<1x77x512xf32, #tpu.memory_space<hbm>>
        %dma_wait3A_147 = tpu.memref_squeeze %dma_wait3A_146 : memref<1x77x512xf32, #tpu.memory_space<hbm>> -> memref<77x512xf32, #tpu.memory_space<hbm>>
        %dma_wait3A_148 = arith.constant 0 : i32
        %dma_wait3A_149 = arith.constant 0 : i32
        %dma_wait3A_150 = tpu.memref_slice %dma_wait3A_147[%dma_wait3A_148, %dma_wait3A_149] : memref<77x512xf32, #tpu.memory_space<hbm>> -> memref<1x512xf32, #tpu.memory_space<hbm>>
        %dma_wait3A_151 = arith.constant 0 : i32
        %dma_wait3A_152 = arith.constant 0 : i32
        %dma_wait3A_153 = tpu.memref_slice %arg5[%add3A_138, %dma_wait3A_151, %dma_wait3A_152] : memref<4096x77x512xf32, #tpu.memory_space<hbm>> -> memref<1x77x512xf32, #tpu.memory_space<hbm>>
        %dma_wait3A_154 = tpu.memref_squeeze %dma_wait3A_153 : memref<1x77x512xf32, #tpu.memory_space<hbm>> -> memref<77x512xf32, #tpu.memory_space<hbm>>
        %dma_wait3A_155 = arith.constant 0 : i32
        %dma_wait3A_156 = arith.constant 0 : i32
        %dma_wait3A_157 = tpu.memref_slice %dma_wait3A_154[%dma_wait3A_155, %dma_wait3A_156] : memref<77x512xf32, #tpu.memory_space<hbm>> -> memref<1x512xf32, #tpu.memory_space<hbm>>
        %dma_wait3A_158 = arith.constant 0 : i32
        %dma_wait3A_159 = arith.constant 0 : i32
        %dma_wait3A_160 = tpu.memref_slice %arg7[%dma_wait3A_139, %dma_wait3A_158, %dma_wait3A_159] : memref<3x73x512xf32, #tpu.memory_space<vmem>> -> memref<1x1x512xf32, #tpu.memory_space<vmem>>
        %dma_wait3A_161 = tpu.memref_squeeze %dma_wait3A_160 : memref<1x1x512xf32, #tpu.memory_space<vmem>> -> memref<1x512xf32, #tpu.memory_space<vmem>>
        tpu.wait_dma2 semaphore(%arg13 : memref<!tpu.dma_semaphore, #tpu.memory_space<semaphore_mem>>) src(%dma_wait3A_161 : memref<1x512xf32, #tpu.memory_space<vmem>>) dst(%dma_wait3A_157 : memref<1x512xf32, #tpu.memory_space<hbm>>)
        %dma_wait3A_162 = arith.constant 0 : i32
        %dma_wait3A_163 = arith.constant 0 : i32
        %dma_wait3A_164 = tpu.memref_slice %arg5[%add3A_138, %dma_wait3A_162, %dma_wait3A_163] : memref<4096x77x512xf32, #tpu.memory_space<hbm>> -> memref<1x77x512xf32, #tpu.memory_space<hbm>>
        %dma_wait3A_165 = tpu.memref_squeeze %dma_wait3A_164 : memref<1x77x512xf32, #tpu.memory_space<hbm>> -> memref<77x512xf32, #tpu.memory_space<hbm>>
        %dma_wait3A_166 = arith.constant 1 : i32
        %dma_wait3A_167 = arith.constant 0 : i32
        %dma_wait3A_168 = tpu.memref_slice %dma_wait3A_165[%dma_wait3A_166, %dma_wait3A_167] : memref<77x512xf32, #tpu.memory_space<hbm>> -> memref<4x512xf32, #tpu.memory_space<hbm>>
        %dma_wait3A_169 = arith.constant 0 : i32
        %dma_wait3A_170 = arith.constant 0 : i32
        %dma_wait3A_171 = tpu.memref_slice %arg5[%add3A_138, %dma_wait3A_169, %dma_wait3A_170] : memref<4096x77x512xf32, #tpu.memory_space<hbm>> -> memref<1x77x512xf32, #tpu.memory_space<hbm>>
        %dma_wait3A_172 = tpu.memref_squeeze %dma_wait3A_171 : memref<1x77x512xf32, #tpu.memory_space<hbm>> -> memref<77x512xf32, #tpu.memory_space<hbm>>
        %dma_wait3A_173 = arith.constant 1 : i32
        %dma_wait3A_174 = arith.constant 0 : i32
        %dma_wait3A_175 = tpu.memref_slice %dma_wait3A_172[%dma_wait3A_173, %dma_wait3A_174] : memref<77x512xf32, #tpu.memory_space<hbm>> -> memref<4x512xf32, #tpu.memory_space<hbm>>
        tpu.wait_dma2 semaphore(%arg13 : memref<!tpu.dma_semaphore, #tpu.memory_space<semaphore_mem>>) src(%arg8 : memref<4x512xf32, #tpu.memory_space<vmem>>) dst(%dma_wait3A_175 : memref<4x512xf32, #tpu.memory_space<hbm>>)
        %dma_wait3A_176 = arith.constant 1 : i32
        %dma_wait3A_177 = arith.constant 1 : i32
        %dma_wait3A_178 = arith.constant 0 : i32
        %dma_wait3A_179 = tpu.memref_slice %arg7[%dma_wait3A_176, %dma_wait3A_177, %dma_wait3A_178] : memref<3x73x512xf32, #tpu.memory_space<vmem>> -> memref<1x72x512xf32, #tpu.memory_space<vmem>>
        %dma_wait3A_180 = tpu.memref_squeeze %dma_wait3A_179 : memref<1x72x512xf32, #tpu.memory_space<vmem>> -> memref<72x512xf32, #tpu.memory_space<vmem>>
        %dma_wait3A_181 = arith.constant 0 : i32
        %dma_wait3A_182 = arith.constant 0 : i32
        %dma_wait3A_183 = tpu.memref_slice %arg5[%add3A_138, %dma_wait3A_181, %dma_wait3A_182] : memref<4096x77x512xf32, #tpu.memory_space<hbm>> -> memref<1x77x512xf32, #tpu.memory_space<hbm>>
        %dma_wait3A_184 = tpu.memref_squeeze %dma_wait3A_183 : memref<1x77x512xf32, #tpu.memory_space<hbm>> -> memref<77x512xf32, #tpu.memory_space<hbm>>
        %dma_wait3A_185 = arith.constant 5 : i32
        %dma_wait3A_186 = arith.constant 0 : i32
        %dma_wait3A_187 = tpu.memref_slice %dma_wait3A_184[%dma_wait3A_185, %dma_wait3A_186] : memref<77x512xf32, #tpu.memory_space<hbm>> -> memref<72x512xf32, #tpu.memory_space<hbm>>
        %dma_wait3A_188 = arith.constant 0 : i32
        %dma_wait3A_189 = arith.constant 0 : i32
        %dma_wait3A_190 = tpu.memref_slice %arg5[%add3A_138, %dma_wait3A_188, %dma_wait3A_189] : memref<4096x77x512xf32, #tpu.memory_space<hbm>> -> memref<1x77x512xf32, #tpu.memory_space<hbm>>
        %dma_wait3A_191 = tpu.memref_squeeze %dma_wait3A_190 : memref<1x77x512xf32, #tpu.memory_space<hbm>> -> memref<77x512xf32, #tpu.memory_space<hbm>>
        %dma_wait3A_192 = arith.constant 5 : i32
        %dma_wait3A_193 = arith.constant 0 : i32
        %dma_wait3A_194 = tpu.memref_slice %dma_wait3A_191[%dma_wait3A_192, %dma_wait3A_193] : memref<77x512xf32, #tpu.memory_space<hbm>> -> memref<72x512xf32, #tpu.memory_space<hbm>>
        %dma_wait3A_195 = arith.constant 1 : i32
        %dma_wait3A_196 = arith.constant 0 : i32
        %dma_wait3A_197 = tpu.memref_slice %arg7[%dma_wait3A_176, %dma_wait3A_195, %dma_wait3A_196] : memref<3x73x512xf32, #tpu.memory_space<vmem>> -> memref<1x72x512xf32, #tpu.memory_space<vmem>>
        %dma_wait3A_198 = tpu.memref_squeeze %dma_wait3A_197 : memref<1x72x512xf32, #tpu.memory_space<vmem>> -> memref<72x512xf32, #tpu.memory_space<vmem>>
        tpu.wait_dma2 semaphore(%arg13 : memref<!tpu.dma_semaphore, #tpu.memory_space<semaphore_mem>>) src(%dma_wait3A_198 : memref<72x512xf32, #tpu.memory_space<vmem>>) dst(%dma_wait3A_194 : memref<72x512xf32, #tpu.memory_space<hbm>>)
      } else {
      }
      %add3A_92 = arith.constant 1 : i32
      %add3A_93 = arith.addi %add3A_85, %add3A_92 : i32
      %lt3A_94 = arith.constant 128 : i32
      %lt3A_95 = arith.cmpi slt, %add3A_93, %lt3A_94 : i32
      %convert_element_type3A_96 = arith.extui %lt3A_95 : i1 to i32
      %cond3A_97 = arith.constant 0 : i32
      %cond3A_98 = arith.cmpi ne, %convert_element_type3A_96, %cond3A_97 : i32
      scf.if %cond3A_98 {
        %add3A_137 = arith.constant 1 : i32
        %add3A_138 = arith.addi %add3A_85, %add3A_137 : i32
        %dma_start3A_139 = arith.constant 1 : i32
        %dma_start3A_140 = arith.constant 0 : i32
        %dma_start3A_141 = arith.constant 0 : i32
        %dma_start3A_142 = tpu.memref_slice %arg7[%dma_start3A_139, %dma_start3A_140, %dma_start3A_141] : memref<3x73x512xf32, #tpu.memory_space<vmem>> -> memref<1x73x512xf32, #tpu.memory_space<vmem>>
        %dma_start3A_143 = tpu.memref_squeeze %dma_start3A_142 : memref<1x73x512xf32, #tpu.memory_space<vmem>> -> memref<73x512xf32, #tpu.memory_space<vmem>>
        %dma_start3A_144 = arith.constant 0 : i32
        %dma_start3A_145 = tpu.memref_slice %arg6[%add3A_138, %dma_start3A_144] : memref<128x73xi32, #tpu.memory_space<vmem>> -> memref<1x73xi32, #tpu.memory_space<vmem>>
        %dma_start3A_146 = tpu.memref_squeeze %dma_start3A_145 : memref<1x73xi32, #tpu.memory_space<vmem>> -> memref<73xi32, #tpu.memory_space<vmem>>
        %dma_start3A_147 = arith.constant 0 : i32
        %dma_start3A_148 = arith.constant 0 : i32
        %dma_start3A_149 = tpu.memref_slice %arg4[%dma_start3A_147, %dma_start3A_148] : memref<49408x512xf32, #tpu.memory_space<hbm>> -> memref<49408x512xf32, #tpu.memory_space<hbm>>
        tpu.enqueue_indirect_dma source(%dma_start3A_149 : memref<49408x512xf32, #tpu.memory_space<hbm>>) target(%dma_start3A_143 : memref<73x512xf32, #tpu.memory_space<vmem>>) offsets(%dma_start3A_146 : memref<73xi32, #tpu.memory_space<vmem>>) semaphore(%arg10 : memref<!tpu.dma_semaphore, #tpu.memory_space<semaphore_mem>>)
      } else {
      }
      %add3A_99 = arith.constant 1 : i32
      %add3A_100 = arith.addi %add3A_83, %add3A_99 : i32
      %lt3A_101 = arith.constant 128 : i32
      %lt3A_102 = arith.cmpi slt, %add3A_100, %lt3A_101 : i32
      %convert_element_type3A_103 = arith.extui %lt3A_102 : i1 to i32
      %cond3A_104 = arith.constant 0 : i32
      %cond3A_105 = arith.cmpi ne, %convert_element_type3A_103, %cond3A_104 : i32
      scf.if %cond3A_105 {
        %dma_wait3A_137 = arith.constant 1 : i32
        %dma_wait3A_138 = arith.constant 0 : i32
        %dma_wait3A_139 = arith.constant 0 : i32
        %dma_wait3A_140 = tpu.memref_slice %arg7[%dma_wait3A_137, %dma_wait3A_138, %dma_wait3A_139] : memref<3x73x512xf32, #tpu.memory_space<vmem>> -> memref<1x73x512xf32, #tpu.memory_space<vmem>>
        %dma_wait3A_141 = tpu.memref_squeeze %dma_wait3A_140 : memref<1x73x512xf32, #tpu.memory_space<vmem>> -> memref<73x512xf32, #tpu.memory_space<vmem>>
        %dma_wait3A_142 = arith.constant 0 : i32
        %dma_wait3A_143 = tpu.memref_slice %arg6[%add3A_100, %dma_wait3A_142] : memref<128x73xi32, #tpu.memory_space<vmem>> -> memref<1x73xi32, #tpu.memory_space<vmem>>
        %dma_wait3A_144 = tpu.memref_squeeze %dma_wait3A_143 : memref<1x73xi32, #tpu.memory_space<vmem>> -> memref<73xi32, #tpu.memory_space<vmem>>
        %dma_wait3A_145 = arith.constant 0 : i32
        %dma_wait3A_146 = arith.constant 0 : i32
        %dma_wait3A_147 = tpu.memref_slice %arg4[%dma_wait3A_145, %dma_wait3A_146] : memref<49408x512xf32, #tpu.memory_space<hbm>> -> memref<49408x512xf32, #tpu.memory_space<hbm>>
        tpu.wait_indirect_dma semaphore(%arg10 : memref<!tpu.dma_semaphore, #tpu.memory_space<semaphore_mem>>) src(%dma_wait3A_147 : memref<49408x512xf32, #tpu.memory_space<hbm>>) dst(%dma_wait3A_141 : memref<73x512xf32, #tpu.memory_space<vmem>>)
        %add3A_148 = arith.addi %mul3A_2, %add3A_100 : i32
        %dma_start3A_149 = arith.constant 1 : i32
        %dma_start3A_150 = arith.constant 0 : i32
        %dma_start3A_151 = arith.constant 0 : i32
        %dma_start3A_152 = tpu.memref_slice %arg7[%dma_start3A_149, %dma_start3A_150, %dma_start3A_151] : memref<3x73x512xf32, #tpu.memory_space<vmem>> -> memref<1x1x512xf32, #tpu.memory_space<vmem>>
        %dma_start3A_153 = tpu.memref_squeeze %dma_start3A_152 : memref<1x1x512xf32, #tpu.memory_space<vmem>> -> memref<1x512xf32, #tpu.memory_space<vmem>>
        %dma_start3A_154 = arith.constant 0 : i32
        %dma_start3A_155 = arith.constant 0 : i32
        %dma_start3A_156 = tpu.memref_slice %arg5[%add3A_148, %dma_start3A_154, %dma_start3A_155] : memref<4096x77x512xf32, #tpu.memory_space<hbm>> -> memref<1x77x512xf32, #tpu.memory_space<hbm>>
        %dma_start3A_157 = tpu.memref_squeeze %dma_start3A_156 : memref<1x77x512xf32, #tpu.memory_space<hbm>> -> memref<77x512xf32, #tpu.memory_space<hbm>>
        %dma_start3A_158 = arith.constant 0 : i32
        %dma_start3A_159 = arith.constant 0 : i32
        %dma_start3A_160 = tpu.memref_slice %dma_start3A_157[%dma_start3A_158, %dma_start3A_159] : memref<77x512xf32, #tpu.memory_space<hbm>> -> memref<1x512xf32, #tpu.memory_space<hbm>>
        %dma_start3A_161 = arith.constant 0 : i32
        %dma_start3A_162 = arith.constant 0 : i32
        %dma_start3A_163 = tpu.memref_slice %arg5[%add3A_148, %dma_start3A_161, %dma_start3A_162] : memref<4096x77x512xf32, #tpu.memory_space<hbm>> -> memref<1x77x512xf32, #tpu.memory_space<hbm>>
        %dma_start3A_164 = tpu.memref_squeeze %dma_start3A_163 : memref<1x77x512xf32, #tpu.memory_space<hbm>> -> memref<77x512xf32, #tpu.memory_space<hbm>>
        %dma_start3A_165 = arith.constant 0 : i32
        %dma_start3A_166 = arith.constant 0 : i32
        %dma_start3A_167 = tpu.memref_slice %dma_start3A_164[%dma_start3A_165, %dma_start3A_166] : memref<77x512xf32, #tpu.memory_space<hbm>> -> memref<1x512xf32, #tpu.memory_space<hbm>>
        %dma_start3A_168 = arith.constant 0 : i32
        %dma_start3A_169 = arith.constant 0 : i32
        %dma_start3A_170 = tpu.memref_slice %arg7[%dma_start3A_149, %dma_start3A_168, %dma_start3A_169] : memref<3x73x512xf32, #tpu.memory_space<vmem>> -> memref<1x1x512xf32, #tpu.memory_space<vmem>>
        %dma_start3A_171 = tpu.memref_squeeze %dma_start3A_170 : memref<1x1x512xf32, #tpu.memory_space<vmem>> -> memref<1x512xf32, #tpu.memory_space<vmem>>
        tpu.enqueue_dma source(%dma_start3A_171 : memref<1x512xf32, #tpu.memory_space<vmem>>) target(%dma_start3A_167 : memref<1x512xf32, #tpu.memory_space<hbm>>) target_semaphore(%arg13 : memref<!tpu.dma_semaphore, #tpu.memory_space<semaphore_mem>>)
        %dma_start3A_172 = arith.constant 0 : i32
        %dma_start3A_173 = arith.constant 0 : i32
        %dma_start3A_174 = tpu.memref_slice %arg5[%add3A_148, %dma_start3A_172, %dma_start3A_173] : memref<4096x77x512xf32, #tpu.memory_space<hbm>> -> memref<1x77x512xf32, #tpu.memory_space<hbm>>
        %dma_start3A_175 = tpu.memref_squeeze %dma_start3A_174 : memref<1x77x512xf32, #tpu.memory_space<hbm>> -> memref<77x512xf32, #tpu.memory_space<hbm>>
        %dma_start3A_176 = arith.constant 1 : i32
        %dma_start3A_177 = arith.constant 0 : i32
        %dma_start3A_178 = tpu.memref_slice %dma_start3A_175[%dma_start3A_176, %dma_start3A_177] : memref<77x512xf32, #tpu.memory_space<hbm>> -> memref<4x512xf32, #tpu.memory_space<hbm>>
        %dma_start3A_179 = arith.constant 0 : i32
        %dma_start3A_180 = arith.constant 0 : i32
        %dma_start3A_181 = tpu.memref_slice %arg5[%add3A_148, %dma_start3A_179, %dma_start3A_180] : memref<4096x77x512xf32, #tpu.memory_space<hbm>> -> memref<1x77x512xf32, #tpu.memory_space<hbm>>
        %dma_start3A_182 = tpu.memref_squeeze %dma_start3A_181 : memref<1x77x512xf32, #tpu.memory_space<hbm>> -> memref<77x512xf32, #tpu.memory_space<hbm>>
        %dma_start3A_183 = arith.constant 1 : i32
        %dma_start3A_184 = arith.constant 0 : i32
        %dma_start3A_185 = tpu.memref_slice %dma_start3A_182[%dma_start3A_183, %dma_start3A_184] : memref<77x512xf32, #tpu.memory_space<hbm>> -> memref<4x512xf32, #tpu.memory_space<hbm>>
        tpu.enqueue_dma source(%arg8 : memref<4x512xf32, #tpu.memory_space<vmem>>) target(%dma_start3A_185 : memref<4x512xf32, #tpu.memory_space<hbm>>) target_semaphore(%arg13 : memref<!tpu.dma_semaphore, #tpu.memory_space<semaphore_mem>>)
        %dma_start3A_186 = arith.constant 1 : i32
        %dma_start3A_187 = arith.constant 1 : i32
        %dma_start3A_188 = arith.constant 0 : i32
        %dma_start3A_189 = tpu.memref_slice %arg7[%dma_start3A_186, %dma_start3A_187, %dma_start3A_188] : memref<3x73x512xf32, #tpu.memory_space<vmem>> -> memref<1x72x512xf32, #tpu.memory_space<vmem>>
        %dma_start3A_190 = tpu.memref_squeeze %dma_start3A_189 : memref<1x72x512xf32, #tpu.memory_space<vmem>> -> memref<72x512xf32, #tpu.memory_space<vmem>>
        %dma_start3A_191 = arith.constant 0 : i32
        %dma_start3A_192 = arith.constant 0 : i32
        %dma_start3A_193 = tpu.memref_slice %arg5[%add3A_148, %dma_start3A_191, %dma_start3A_192] : memref<4096x77x512xf32, #tpu.memory_space<hbm>> -> memref<1x77x512xf32, #tpu.memory_space<hbm>>
        %dma_start3A_194 = tpu.memref_squeeze %dma_start3A_193 : memref<1x77x512xf32, #tpu.memory_space<hbm>> -> memref<77x512xf32, #tpu.memory_space<hbm>>
        %dma_start3A_195 = arith.constant 5 : i32
        %dma_start3A_196 = arith.constant 0 : i32
        %dma_start3A_197 = tpu.memref_slice %dma_start3A_194[%dma_start3A_195, %dma_start3A_196] : memref<77x512xf32, #tpu.memory_space<hbm>> -> memref<72x512xf32, #tpu.memory_space<hbm>>
        %dma_start3A_198 = arith.constant 0 : i32
        %dma_start3A_199 = arith.constant 0 : i32
        %dma_start3A_200 = tpu.memref_slice %arg5[%add3A_148, %dma_start3A_198, %dma_start3A_199] : memref<4096x77x512xf32, #tpu.memory_space<hbm>> -> memref<1x77x512xf32, #tpu.memory_space<hbm>>
        %dma_start3A_201 = tpu.memref_squeeze %dma_start3A_200 : memref<1x77x512xf32, #tpu.memory_space<hbm>> -> memref<77x512xf32, #tpu.memory_space<hbm>>
        %dma_start3A_202 = arith.constant 5 : i32
        %dma_start3A_203 = arith.constant 0 : i32
        %dma_start3A_204 = tpu.memref_slice %dma_start3A_201[%dma_start3A_202, %dma_start3A_203] : memref<77x512xf32, #tpu.memory_space<hbm>> -> memref<72x512xf32, #tpu.memory_space<hbm>>
        %dma_start3A_205 = arith.constant 1 : i32
        %dma_start3A_206 = arith.constant 0 : i32
        %dma_start3A_207 = tpu.memref_slice %arg7[%dma_start3A_186, %dma_start3A_205, %dma_start3A_206] : memref<3x73x512xf32, #tpu.memory_space<vmem>> -> memref<1x72x512xf32, #tpu.memory_space<vmem>>
        %dma_start3A_208 = tpu.memref_squeeze %dma_start3A_207 : memref<1x72x512xf32, #tpu.memory_space<vmem>> -> memref<72x512xf32, #tpu.memory_space<vmem>>
        tpu.enqueue_dma source(%dma_start3A_208 : memref<72x512xf32, #tpu.memory_space<vmem>>) target(%dma_start3A_204 : memref<72x512xf32, #tpu.memory_space<hbm>>) target_semaphore(%arg13 : memref<!tpu.dma_semaphore, #tpu.memory_space<semaphore_mem>>)
      } else {
      }
      %ge3A_106 = arith.constant 2 : i32
      %ge3A_107 = arith.cmpi sge, %add3A_100, %ge3A_106 : i32
      %convert_element_type3A_108 = arith.extui %ge3A_107 : i1 to i32
      %cond3A_109 = arith.constant 0 : i32
      %cond3A_110 = arith.cmpi ne, %convert_element_type3A_108, %cond3A_109 : i32
      scf.if %cond3A_110 {
        %sub3A = arith.constant 2 : i32
        %sub3A_137 = arith.subi %add3A_100, %sub3A : i32
        %add3A_138 = arith.addi %mul3A_2, %sub3A_137 : i32
        %dma_wait3A_139 = arith.constant 2 : i32
        %dma_wait3A_140 = arith.constant 0 : i32
        %dma_wait3A_141 = arith.constant 0 : i32
        %dma_wait3A_142 = tpu.memref_slice %arg7[%dma_wait3A_139, %dma_wait3A_140, %dma_wait3A_141] : memref<3x73x512xf32, #tpu.memory_space<vmem>> -> memref<1x1x512xf32, #tpu.memory_space<vmem>>
        %dma_wait3A_143 = tpu.memref_squeeze %dma_wait3A_142 : memref<1x1x512xf32, #tpu.memory_space<vmem>> -> memref<1x512xf32, #tpu.memory_space<vmem>>
        %dma_wait3A_144 = arith.constant 0 : i32
        %dma_wait3A_145 = arith.constant 0 : i32
        %dma_wait3A_146 = tpu.memref_slice %arg5[%add3A_138, %dma_wait3A_144, %dma_wait3A_145] : memref<4096x77x512xf32, #tpu.memory_space<hbm>> -> memref<1x77x512xf32, #tpu.memory_space<hbm>>
        %dma_wait3A_147 = tpu.memref_squeeze %dma_wait3A_146 : memref<1x77x512xf32, #tpu.memory_space<hbm>> -> memref<77x512xf32, #tpu.memory_space<hbm>>
        %dma_wait3A_148 = arith.constant 0 : i32
        %dma_wait3A_149 = arith.constant 0 : i32
        %dma_wait3A_150 = tpu.memref_slice %dma_wait3A_147[%dma_wait3A_148, %dma_wait3A_149] : memref<77x512xf32, #tpu.memory_space<hbm>> -> memref<1x512xf32, #tpu.memory_space<hbm>>
        %dma_wait3A_151 = arith.constant 0 : i32
        %dma_wait3A_152 = arith.constant 0 : i32
        %dma_wait3A_153 = tpu.memref_slice %arg5[%add3A_138, %dma_wait3A_151, %dma_wait3A_152] : memref<4096x77x512xf32, #tpu.memory_space<hbm>> -> memref<1x77x512xf32, #tpu.memory_space<hbm>>
        %dma_wait3A_154 = tpu.memref_squeeze %dma_wait3A_153 : memref<1x77x512xf32, #tpu.memory_space<hbm>> -> memref<77x512xf32, #tpu.memory_space<hbm>>
        %dma_wait3A_155 = arith.constant 0 : i32
        %dma_wait3A_156 = arith.constant 0 : i32
        %dma_wait3A_157 = tpu.memref_slice %dma_wait3A_154[%dma_wait3A_155, %dma_wait3A_156] : memref<77x512xf32, #tpu.memory_space<hbm>> -> memref<1x512xf32, #tpu.memory_space<hbm>>
        %dma_wait3A_158 = arith.constant 0 : i32
        %dma_wait3A_159 = arith.constant 0 : i32
        %dma_wait3A_160 = tpu.memref_slice %arg7[%dma_wait3A_139, %dma_wait3A_158, %dma_wait3A_159] : memref<3x73x512xf32, #tpu.memory_space<vmem>> -> memref<1x1x512xf32, #tpu.memory_space<vmem>>
        %dma_wait3A_161 = tpu.memref_squeeze %dma_wait3A_160 : memref<1x1x512xf32, #tpu.memory_space<vmem>> -> memref<1x512xf32, #tpu.memory_space<vmem>>
        tpu.wait_dma2 semaphore(%arg14 : memref<!tpu.dma_semaphore, #tpu.memory_space<semaphore_mem>>) src(%dma_wait3A_161 : memref<1x512xf32, #tpu.memory_space<vmem>>) dst(%dma_wait3A_157 : memref<1x512xf32, #tpu.memory_space<hbm>>)
        %dma_wait3A_162 = arith.constant 0 : i32
        %dma_wait3A_163 = arith.constant 0 : i32
        %dma_wait3A_164 = tpu.memref_slice %arg5[%add3A_138, %dma_wait3A_162, %dma_wait3A_163] : memref<4096x77x512xf32, #tpu.memory_space<hbm>> -> memref<1x77x512xf32, #tpu.memory_space<hbm>>
        %dma_wait3A_165 = tpu.memref_squeeze %dma_wait3A_164 : memref<1x77x512xf32, #tpu.memory_space<hbm>> -> memref<77x512xf32, #tpu.memory_space<hbm>>
        %dma_wait3A_166 = arith.constant 1 : i32
        %dma_wait3A_167 = arith.constant 0 : i32
        %dma_wait3A_168 = tpu.memref_slice %dma_wait3A_165[%dma_wait3A_166, %dma_wait3A_167] : memref<77x512xf32, #tpu.memory_space<hbm>> -> memref<4x512xf32, #tpu.memory_space<hbm>>
        %dma_wait3A_169 = arith.constant 0 : i32
        %dma_wait3A_170 = arith.constant 0 : i32
        %dma_wait3A_171 = tpu.memref_slice %arg5[%add3A_138, %dma_wait3A_169, %dma_wait3A_170] : memref<4096x77x512xf32, #tpu.memory_space<hbm>> -> memref<1x77x512xf32, #tpu.memory_space<hbm>>
        %dma_wait3A_172 = tpu.memref_squeeze %dma_wait3A_171 : memref<1x77x512xf32, #tpu.memory_space<hbm>> -> memref<77x512xf32, #tpu.memory_space<hbm>>
        %dma_wait3A_173 = arith.constant 1 : i32
        %dma_wait3A_174 = arith.constant 0 : i32
        %dma_wait3A_175 = tpu.memref_slice %dma_wait3A_172[%dma_wait3A_173, %dma_wait3A_174] : memref<77x512xf32, #tpu.memory_space<hbm>> -> memref<4x512xf32, #tpu.memory_space<hbm>>
        tpu.wait_dma2 semaphore(%arg14 : memref<!tpu.dma_semaphore, #tpu.memory_space<semaphore_mem>>) src(%arg8 : memref<4x512xf32, #tpu.memory_space<vmem>>) dst(%dma_wait3A_175 : memref<4x512xf32, #tpu.memory_space<hbm>>)
        %dma_wait3A_176 = arith.constant 2 : i32
        %dma_wait3A_177 = arith.constant 1 : i32
        %dma_wait3A_178 = arith.constant 0 : i32
        %dma_wait3A_179 = tpu.memref_slice %arg7[%dma_wait3A_176, %dma_wait3A_177, %dma_wait3A_178] : memref<3x73x512xf32, #tpu.memory_space<vmem>> -> memref<1x72x512xf32, #tpu.memory_space<vmem>>
        %dma_wait3A_180 = tpu.memref_squeeze %dma_wait3A_179 : memref<1x72x512xf32, #tpu.memory_space<vmem>> -> memref<72x512xf32, #tpu.memory_space<vmem>>
        %dma_wait3A_181 = arith.constant 0 : i32
        %dma_wait3A_182 = arith.constant 0 : i32
        %dma_wait3A_183 = tpu.memref_slice %arg5[%add3A_138, %dma_wait3A_181, %dma_wait3A_182] : memref<4096x77x512xf32, #tpu.memory_space<hbm>> -> memref<1x77x512xf32, #tpu.memory_space<hbm>>
        %dma_wait3A_184 = tpu.memref_squeeze %dma_wait3A_183 : memref<1x77x512xf32, #tpu.memory_space<hbm>> -> memref<77x512xf32, #tpu.memory_space<hbm>>
        %dma_wait3A_185 = arith.constant 5 : i32
        %dma_wait3A_186 = arith.constant 0 : i32
        %dma_wait3A_187 = tpu.memref_slice %dma_wait3A_184[%dma_wait3A_185, %dma_wait3A_186] : memref<77x512xf32, #tpu.memory_space<hbm>> -> memref<72x512xf32, #tpu.memory_space<hbm>>
        %dma_wait3A_188 = arith.constant 0 : i32
        %dma_wait3A_189 = arith.constant 0 : i32
        %dma_wait3A_190 = tpu.memref_slice %arg5[%add3A_138, %dma_wait3A_188, %dma_wait3A_189] : memref<4096x77x512xf32, #tpu.memory_space<hbm>> -> memref<1x77x512xf32, #tpu.memory_space<hbm>>
        %dma_wait3A_191 = tpu.memref_squeeze %dma_wait3A_190 : memref<1x77x512xf32, #tpu.memory_space<hbm>> -> memref<77x512xf32, #tpu.memory_space<hbm>>
        %dma_wait3A_192 = arith.constant 5 : i32
        %dma_wait3A_193 = arith.constant 0 : i32
        %dma_wait3A_194 = tpu.memref_slice %dma_wait3A_191[%dma_wait3A_192, %dma_wait3A_193] : memref<77x512xf32, #tpu.memory_space<hbm>> -> memref<72x512xf32, #tpu.memory_space<hbm>>
        %dma_wait3A_195 = arith.constant 1 : i32
        %dma_wait3A_196 = arith.constant 0 : i32
        %dma_wait3A_197 = tpu.memref_slice %arg7[%dma_wait3A_176, %dma_wait3A_195, %dma_wait3A_196] : memref<3x73x512xf32, #tpu.memory_space<vmem>> -> memref<1x72x512xf32, #tpu.memory_space<vmem>>
        %dma_wait3A_198 = tpu.memref_squeeze %dma_wait3A_197 : memref<1x72x512xf32, #tpu.memory_space<vmem>> -> memref<72x512xf32, #tpu.memory_space<vmem>>
        tpu.wait_dma2 semaphore(%arg14 : memref<!tpu.dma_semaphore, #tpu.memory_space<semaphore_mem>>) src(%dma_wait3A_198 : memref<72x512xf32, #tpu.memory_space<vmem>>) dst(%dma_wait3A_194 : memref<72x512xf32, #tpu.memory_space<hbm>>)
      } else {
      }
      %add3A_111 = arith.constant 1 : i32
      %add3A_112 = arith.addi %add3A_100, %add3A_111 : i32
      %lt3A_113 = arith.constant 128 : i32
      %lt3A_114 = arith.cmpi slt, %add3A_112, %lt3A_113 : i32
      %convert_element_type3A_115 = arith.extui %lt3A_114 : i1 to i32
      %cond3A_116 = arith.constant 0 : i32
      %cond3A_117 = arith.cmpi ne, %convert_element_type3A_115, %cond3A_116 : i32
      scf.if %cond3A_117 {
        %add3A_137 = arith.constant 1 : i32
        %add3A_138 = arith.addi %add3A_100, %add3A_137 : i32
        %dma_start3A_139 = arith.constant 2 : i32
        %dma_start3A_140 = arith.constant 0 : i32
        %dma_start3A_141 = arith.constant 0 : i32
        %dma_start3A_142 = tpu.memref_slice %arg7[%dma_start3A_139, %dma_start3A_140, %dma_start3A_141] : memref<3x73x512xf32, #tpu.memory_space<vmem>> -> memref<1x73x512xf32, #tpu.memory_space<vmem>>
        %dma_start3A_143 = tpu.memref_squeeze %dma_start3A_142 : memref<1x73x512xf32, #tpu.memory_space<vmem>> -> memref<73x512xf32, #tpu.memory_space<vmem>>
        %dma_start3A_144 = arith.constant 0 : i32
        %dma_start3A_145 = tpu.memref_slice %arg6[%add3A_138, %dma_start3A_144] : memref<128x73xi32, #tpu.memory_space<vmem>> -> memref<1x73xi32, #tpu.memory_space<vmem>>
        %dma_start3A_146 = tpu.memref_squeeze %dma_start3A_145 : memref<1x73xi32, #tpu.memory_space<vmem>> -> memref<73xi32, #tpu.memory_space<vmem>>
        %dma_start3A_147 = arith.constant 0 : i32
        %dma_start3A_148 = arith.constant 0 : i32
        %dma_start3A_149 = tpu.memref_slice %arg4[%dma_start3A_147, %dma_start3A_148] : memref<49408x512xf32, #tpu.memory_space<hbm>> -> memref<49408x512xf32, #tpu.memory_space<hbm>>
        tpu.enqueue_indirect_dma source(%dma_start3A_149 : memref<49408x512xf32, #tpu.memory_space<hbm>>) target(%dma_start3A_143 : memref<73x512xf32, #tpu.memory_space<vmem>>) offsets(%dma_start3A_146 : memref<73xi32, #tpu.memory_space<vmem>>) semaphore(%arg11 : memref<!tpu.dma_semaphore, #tpu.memory_space<semaphore_mem>>)
      } else {
      }
      %add3A_118 = arith.constant 2 : i32
      %add3A_119 = arith.addi %add3A_83, %add3A_118 : i32
      %lt3A_120 = arith.constant 128 : i32
      %lt3A_121 = arith.cmpi slt, %add3A_119, %lt3A_120 : i32
      %convert_element_type3A_122 = arith.extui %lt3A_121 : i1 to i32
      %cond3A_123 = arith.constant 0 : i32
      %cond3A_124 = arith.cmpi ne, %convert_element_type3A_122, %cond3A_123 : i32
      scf.if %cond3A_124 {
        %dma_wait3A_137 = arith.constant 2 : i32
        %dma_wait3A_138 = arith.constant 0 : i32
        %dma_wait3A_139 = arith.constant 0 : i32
        %dma_wait3A_140 = tpu.memref_slice %arg7[%dma_wait3A_137, %dma_wait3A_138, %dma_wait3A_139] : memref<3x73x512xf32, #tpu.memory_space<vmem>> -> memref<1x73x512xf32, #tpu.memory_space<vmem>>
        %dma_wait3A_141 = tpu.memref_squeeze %dma_wait3A_140 : memref<1x73x512xf32, #tpu.memory_space<vmem>> -> memref<73x512xf32, #tpu.memory_space<vmem>>
        %dma_wait3A_142 = arith.constant 0 : i32
        %dma_wait3A_143 = tpu.memref_slice %arg6[%add3A_119, %dma_wait3A_142] : memref<128x73xi32, #tpu.memory_space<vmem>> -> memref<1x73xi32, #tpu.memory_space<vmem>>
        %dma_wait3A_144 = tpu.memref_squeeze %dma_wait3A_143 : memref<1x73xi32, #tpu.memory_space<vmem>> -> memref<73xi32, #tpu.memory_space<vmem>>
        %dma_wait3A_145 = arith.constant 0 : i32
        %dma_wait3A_146 = arith.constant 0 : i32
        %dma_wait3A_147 = tpu.memref_slice %arg4[%dma_wait3A_145, %dma_wait3A_146] : memref<49408x512xf32, #tpu.memory_space<hbm>> -> memref<49408x512xf32, #tpu.memory_space<hbm>>
        tpu.wait_indirect_dma semaphore(%arg11 : memref<!tpu.dma_semaphore, #tpu.memory_space<semaphore_mem>>) src(%dma_wait3A_147 : memref<49408x512xf32, #tpu.memory_space<hbm>>) dst(%dma_wait3A_141 : memref<73x512xf32, #tpu.memory_space<vmem>>)
        %add3A_148 = arith.addi %mul3A_2, %add3A_119 : i32
        %dma_start3A_149 = arith.constant 2 : i32
        %dma_start3A_150 = arith.constant 0 : i32
        %dma_start3A_151 = arith.constant 0 : i32
        %dma_start3A_152 = tpu.memref_slice %arg7[%dma_start3A_149, %dma_start3A_150, %dma_start3A_151] : memref<3x73x512xf32, #tpu.memory_space<vmem>> -> memref<1x1x512xf32, #tpu.memory_space<vmem>>
        %dma_start3A_153 = tpu.memref_squeeze %dma_start3A_152 : memref<1x1x512xf32, #tpu.memory_space<vmem>> -> memref<1x512xf32, #tpu.memory_space<vmem>>
        %dma_start3A_154 = arith.constant 0 : i32
        %dma_start3A_155 = arith.constant 0 : i32
        %dma_start3A_156 = tpu.memref_slice %arg5[%add3A_148, %dma_start3A_154, %dma_start3A_155] : memref<4096x77x512xf32, #tpu.memory_space<hbm>> -> memref<1x77x512xf32, #tpu.memory_space<hbm>>
        %dma_start3A_157 = tpu.memref_squeeze %dma_start3A_156 : memref<1x77x512xf32, #tpu.memory_space<hbm>> -> memref<77x512xf32, #tpu.memory_space<hbm>>
        %dma_start3A_158 = arith.constant 0 : i32
        %dma_start3A_159 = arith.constant 0 : i32
        %dma_start3A_160 = tpu.memref_slice %dma_start3A_157[%dma_start3A_158, %dma_start3A_159] : memref<77x512xf32, #tpu.memory_space<hbm>> -> memref<1x512xf32, #tpu.memory_space<hbm>>
        %dma_start3A_161 = arith.constant 0 : i32
        %dma_start3A_162 = arith.constant 0 : i32
        %dma_start3A_163 = tpu.memref_slice %arg5[%add3A_148, %dma_start3A_161, %dma_start3A_162] : memref<4096x77x512xf32, #tpu.memory_space<hbm>> -> memref<1x77x512xf32, #tpu.memory_space<hbm>>
        %dma_start3A_164 = tpu.memref_squeeze %dma_start3A_163 : memref<1x77x512xf32, #tpu.memory_space<hbm>> -> memref<77x512xf32, #tpu.memory_space<hbm>>
        %dma_start3A_165 = arith.constant 0 : i32
        %dma_start3A_166 = arith.constant 0 : i32
        %dma_start3A_167 = tpu.memref_slice %dma_start3A_164[%dma_start3A_165, %dma_start3A_166] : memref<77x512xf32, #tpu.memory_space<hbm>> -> memref<1x512xf32, #tpu.memory_space<hbm>>
        %dma_start3A_168 = arith.constant 0 : i32
        %dma_start3A_169 = arith.constant 0 : i32
        %dma_start3A_170 = tpu.memref_slice %arg7[%dma_start3A_149, %dma_start3A_168, %dma_start3A_169] : memref<3x73x512xf32, #tpu.memory_space<vmem>> -> memref<1x1x512xf32, #tpu.memory_space<vmem>>
        %dma_start3A_171 = tpu.memref_squeeze %dma_start3A_170 : memref<1x1x512xf32, #tpu.memory_space<vmem>> -> memref<1x512xf32, #tpu.memory_space<vmem>>
        tpu.enqueue_dma source(%dma_start3A_171 : memref<1x512xf32, #tpu.memory_space<vmem>>) target(%dma_start3A_167 : memref<1x512xf32, #tpu.memory_space<hbm>>) target_semaphore(%arg14 : memref<!tpu.dma_semaphore, #tpu.memory_space<semaphore_mem>>)
        %dma_start3A_172 = arith.constant 0 : i32
        %dma_start3A_173 = arith.constant 0 : i32
        %dma_start3A_174 = tpu.memref_slice %arg5[%add3A_148, %dma_start3A_172, %dma_start3A_173] : memref<4096x77x512xf32, #tpu.memory_space<hbm>> -> memref<1x77x512xf32, #tpu.memory_space<hbm>>
        %dma_start3A_175 = tpu.memref_squeeze %dma_start3A_174 : memref<1x77x512xf32, #tpu.memory_space<hbm>> -> memref<77x512xf32, #tpu.memory_space<hbm>>
        %dma_start3A_176 = arith.constant 1 : i32
        %dma_start3A_177 = arith.constant 0 : i32
        %dma_start3A_178 = tpu.memref_slice %dma_start3A_175[%dma_start3A_176, %dma_start3A_177] : memref<77x512xf32, #tpu.memory_space<hbm>> -> memref<4x512xf32, #tpu.memory_space<hbm>>
        %dma_start3A_179 = arith.constant 0 : i32
        %dma_start3A_180 = arith.constant 0 : i32
        %dma_start3A_181 = tpu.memref_slice %arg5[%add3A_148, %dma_start3A_179, %dma_start3A_180] : memref<4096x77x512xf32, #tpu.memory_space<hbm>> -> memref<1x77x512xf32, #tpu.memory_space<hbm>>
        %dma_start3A_182 = tpu.memref_squeeze %dma_start3A_181 : memref<1x77x512xf32, #tpu.memory_space<hbm>> -> memref<77x512xf32, #tpu.memory_space<hbm>>
        %dma_start3A_183 = arith.constant 1 : i32
        %dma_start3A_184 = arith.constant 0 : i32
        %dma_start3A_185 = tpu.memref_slice %dma_start3A_182[%dma_start3A_183, %dma_start3A_184] : memref<77x512xf32, #tpu.memory_space<hbm>> -> memref<4x512xf32, #tpu.memory_space<hbm>>
        tpu.enqueue_dma source(%arg8 : memref<4x512xf32, #tpu.memory_space<vmem>>) target(%dma_start3A_185 : memref<4x512xf32, #tpu.memory_space<hbm>>) target_semaphore(%arg14 : memref<!tpu.dma_semaphore, #tpu.memory_space<semaphore_mem>>)
        %dma_start3A_186 = arith.constant 2 : i32
        %dma_start3A_187 = arith.constant 1 : i32
        %dma_start3A_188 = arith.constant 0 : i32
        %dma_start3A_189 = tpu.memref_slice %arg7[%dma_start3A_186, %dma_start3A_187, %dma_start3A_188] : memref<3x73x512xf32, #tpu.memory_space<vmem>> -> memref<1x72x512xf32, #tpu.memory_space<vmem>>
        %dma_start3A_190 = tpu.memref_squeeze %dma_start3A_189 : memref<1x72x512xf32, #tpu.memory_space<vmem>> -> memref<72x512xf32, #tpu.memory_space<vmem>>
        %dma_start3A_191 = arith.constant 0 : i32
        %dma_start3A_192 = arith.constant 0 : i32
        %dma_start3A_193 = tpu.memref_slice %arg5[%add3A_148, %dma_start3A_191, %dma_start3A_192] : memref<4096x77x512xf32, #tpu.memory_space<hbm>> -> memref<1x77x512xf32, #tpu.memory_space<hbm>>
        %dma_start3A_194 = tpu.memref_squeeze %dma_start3A_193 : memref<1x77x512xf32, #tpu.memory_space<hbm>> -> memref<77x512xf32, #tpu.memory_space<hbm>>
        %dma_start3A_195 = arith.constant 5 : i32
        %dma_start3A_196 = arith.constant 0 : i32
        %dma_start3A_197 = tpu.memref_slice %dma_start3A_194[%dma_start3A_195, %dma_start3A_196] : memref<77x512xf32, #tpu.memory_space<hbm>> -> memref<72x512xf32, #tpu.memory_space<hbm>>
        %dma_start3A_198 = arith.constant 0 : i32
        %dma_start3A_199 = arith.constant 0 : i32
        %dma_start3A_200 = tpu.memref_slice %arg5[%add3A_148, %dma_start3A_198, %dma_start3A_199] : memref<4096x77x512xf32, #tpu.memory_space<hbm>> -> memref<1x77x512xf32, #tpu.memory_space<hbm>>
        %dma_start3A_201 = tpu.memref_squeeze %dma_start3A_200 : memref<1x77x512xf32, #tpu.memory_space<hbm>> -> memref<77x512xf32, #tpu.memory_space<hbm>>
        %dma_start3A_202 = arith.constant 5 : i32
        %dma_start3A_203 = arith.constant 0 : i32
        %dma_start3A_204 = tpu.memref_slice %dma_start3A_201[%dma_start3A_202, %dma_start3A_203] : memref<77x512xf32, #tpu.memory_space<hbm>> -> memref<72x512xf32, #tpu.memory_space<hbm>>
        %dma_start3A_205 = arith.constant 1 : i32
        %dma_start3A_206 = arith.constant 0 : i32
        %dma_start3A_207 = tpu.memref_slice %arg7[%dma_start3A_186, %dma_start3A_205, %dma_start3A_206] : memref<3x73x512xf32, #tpu.memory_space<vmem>> -> memref<1x72x512xf32, #tpu.memory_space<vmem>>
        %dma_start3A_208 = tpu.memref_squeeze %dma_start3A_207 : memref<1x72x512xf32, #tpu.memory_space<vmem>> -> memref<72x512xf32, #tpu.memory_space<vmem>>
        tpu.enqueue_dma source(%dma_start3A_208 : memref<72x512xf32, #tpu.memory_space<vmem>>) target(%dma_start3A_204 : memref<72x512xf32, #tpu.memory_space<hbm>>) target_semaphore(%arg14 : memref<!tpu.dma_semaphore, #tpu.memory_space<semaphore_mem>>)
      } else {
      }
      %ge3A_125 = arith.constant 2 : i32
      %ge3A_126 = arith.cmpi sge, %add3A_119, %ge3A_125 : i32
      %convert_element_type3A_127 = arith.extui %ge3A_126 : i1 to i32
      %cond3A_128 = arith.constant 0 : i32
      %cond3A_129 = arith.cmpi ne, %convert_element_type3A_127, %cond3A_128 : i32
      scf.if %cond3A_129 {
        %sub3A = arith.constant 2 : i32
        %sub3A_137 = arith.subi %add3A_119, %sub3A : i32
        %add3A_138 = arith.addi %mul3A_2, %sub3A_137 : i32
        %dma_wait3A_139 = arith.constant 0 : i32
        %dma_wait3A_140 = arith.constant 0 : i32
        %dma_wait3A_141 = arith.constant 0 : i32
        %dma_wait3A_142 = tpu.memref_slice %arg7[%dma_wait3A_139, %dma_wait3A_140, %dma_wait3A_141] : memref<3x73x512xf32, #tpu.memory_space<vmem>> -> memref<1x1x512xf32, #tpu.memory_space<vmem>>
        %dma_wait3A_143 = tpu.memref_squeeze %dma_wait3A_142 : memref<1x1x512xf32, #tpu.memory_space<vmem>> -> memref<1x512xf32, #tpu.memory_space<vmem>>
        %dma_wait3A_144 = arith.constant 0 : i32
        %dma_wait3A_145 = arith.constant 0 : i32
        %dma_wait3A_146 = tpu.memref_slice %arg5[%add3A_138, %dma_wait3A_144, %dma_wait3A_145] : memref<4096x77x512xf32, #tpu.memory_space<hbm>> -> memref<1x77x512xf32, #tpu.memory_space<hbm>>
        %dma_wait3A_147 = tpu.memref_squeeze %dma_wait3A_146 : memref<1x77x512xf32, #tpu.memory_space<hbm>> -> memref<77x512xf32, #tpu.memory_space<hbm>>
        %dma_wait3A_148 = arith.constant 0 : i32
        %dma_wait3A_149 = arith.constant 0 : i32
        %dma_wait3A_150 = tpu.memref_slice %dma_wait3A_147[%dma_wait3A_148, %dma_wait3A_149] : memref<77x512xf32, #tpu.memory_space<hbm>> -> memref<1x512xf32, #tpu.memory_space<hbm>>
        %dma_wait3A_151 = arith.constant 0 : i32
        %dma_wait3A_152 = arith.constant 0 : i32
        %dma_wait3A_153 = tpu.memref_slice %arg5[%add3A_138, %dma_wait3A_151, %dma_wait3A_152] : memref<4096x77x512xf32, #tpu.memory_space<hbm>> -> memref<1x77x512xf32, #tpu.memory_space<hbm>>
        %dma_wait3A_154 = tpu.memref_squeeze %dma_wait3A_153 : memref<1x77x512xf32, #tpu.memory_space<hbm>> -> memref<77x512xf32, #tpu.memory_space<hbm>>
        %dma_wait3A_155 = arith.constant 0 : i32
        %dma_wait3A_156 = arith.constant 0 : i32
        %dma_wait3A_157 = tpu.memref_slice %dma_wait3A_154[%dma_wait3A_155, %dma_wait3A_156] : memref<77x512xf32, #tpu.memory_space<hbm>> -> memref<1x512xf32, #tpu.memory_space<hbm>>
        %dma_wait3A_158 = arith.constant 0 : i32
        %dma_wait3A_159 = arith.constant 0 : i32
        %dma_wait3A_160 = tpu.memref_slice %arg7[%dma_wait3A_139, %dma_wait3A_158, %dma_wait3A_159] : memref<3x73x512xf32, #tpu.memory_space<vmem>> -> memref<1x1x512xf32, #tpu.memory_space<vmem>>
        %dma_wait3A_161 = tpu.memref_squeeze %dma_wait3A_160 : memref<1x1x512xf32, #tpu.memory_space<vmem>> -> memref<1x512xf32, #tpu.memory_space<vmem>>
        tpu.wait_dma2 semaphore(%arg12 : memref<!tpu.dma_semaphore, #tpu.memory_space<semaphore_mem>>) src(%dma_wait3A_161 : memref<1x512xf32, #tpu.memory_space<vmem>>) dst(%dma_wait3A_157 : memref<1x512xf32, #tpu.memory_space<hbm>>)
        %dma_wait3A_162 = arith.constant 0 : i32
        %dma_wait3A_163 = arith.constant 0 : i32
        %dma_wait3A_164 = tpu.memref_slice %arg5[%add3A_138, %dma_wait3A_162, %dma_wait3A_163] : memref<4096x77x512xf32, #tpu.memory_space<hbm>> -> memref<1x77x512xf32, #tpu.memory_space<hbm>>
        %dma_wait3A_165 = tpu.memref_squeeze %dma_wait3A_164 : memref<1x77x512xf32, #tpu.memory_space<hbm>> -> memref<77x512xf32, #tpu.memory_space<hbm>>
        %dma_wait3A_166 = arith.constant 1 : i32
        %dma_wait3A_167 = arith.constant 0 : i32
        %dma_wait3A_168 = tpu.memref_slice %dma_wait3A_165[%dma_wait3A_166, %dma_wait3A_167] : memref<77x512xf32, #tpu.memory_space<hbm>> -> memref<4x512xf32, #tpu.memory_space<hbm>>
        %dma_wait3A_169 = arith.constant 0 : i32
        %dma_wait3A_170 = arith.constant 0 : i32
        %dma_wait3A_171 = tpu.memref_slice %arg5[%add3A_138, %dma_wait3A_169, %dma_wait3A_170] : memref<4096x77x512xf32, #tpu.memory_space<hbm>> -> memref<1x77x512xf32, #tpu.memory_space<hbm>>
        %dma_wait3A_172 = tpu.memref_squeeze %dma_wait3A_171 : memref<1x77x512xf32, #tpu.memory_space<hbm>> -> memref<77x512xf32, #tpu.memory_space<hbm>>
        %dma_wait3A_173 = arith.constant 1 : i32
        %dma_wait3A_174 = arith.constant 0 : i32
        %dma_wait3A_175 = tpu.memref_slice %dma_wait3A_172[%dma_wait3A_173, %dma_wait3A_174] : memref<77x512xf32, #tpu.memory_space<hbm>> -> memref<4x512xf32, #tpu.memory_space<hbm>>
        tpu.wait_dma2 semaphore(%arg12 : memref<!tpu.dma_semaphore, #tpu.memory_space<semaphore_mem>>) src(%arg8 : memref<4x512xf32, #tpu.memory_space<vmem>>) dst(%dma_wait3A_175 : memref<4x512xf32, #tpu.memory_space<hbm>>)
        %dma_wait3A_176 = arith.constant 0 : i32
        %dma_wait3A_177 = arith.constant 1 : i32
        %dma_wait3A_178 = arith.constant 0 : i32
        %dma_wait3A_179 = tpu.memref_slice %arg7[%dma_wait3A_176, %dma_wait3A_177, %dma_wait3A_178] : memref<3x73x512xf32, #tpu.memory_space<vmem>> -> memref<1x72x512xf32, #tpu.memory_space<vmem>>
        %dma_wait3A_180 = tpu.memref_squeeze %dma_wait3A_179 : memref<1x72x512xf32, #tpu.memory_space<vmem>> -> memref<72x512xf32, #tpu.memory_space<vmem>>
        %dma_wait3A_181 = arith.constant 0 : i32
        %dma_wait3A_182 = arith.constant 0 : i32
        %dma_wait3A_183 = tpu.memref_slice %arg5[%add3A_138, %dma_wait3A_181, %dma_wait3A_182] : memref<4096x77x512xf32, #tpu.memory_space<hbm>> -> memref<1x77x512xf32, #tpu.memory_space<hbm>>
        %dma_wait3A_184 = tpu.memref_squeeze %dma_wait3A_183 : memref<1x77x512xf32, #tpu.memory_space<hbm>> -> memref<77x512xf32, #tpu.memory_space<hbm>>
        %dma_wait3A_185 = arith.constant 5 : i32
        %dma_wait3A_186 = arith.constant 0 : i32
        %dma_wait3A_187 = tpu.memref_slice %dma_wait3A_184[%dma_wait3A_185, %dma_wait3A_186] : memref<77x512xf32, #tpu.memory_space<hbm>> -> memref<72x512xf32, #tpu.memory_space<hbm>>
        %dma_wait3A_188 = arith.constant 0 : i32
        %dma_wait3A_189 = arith.constant 0 : i32
        %dma_wait3A_190 = tpu.memref_slice %arg5[%add3A_138, %dma_wait3A_188, %dma_wait3A_189] : memref<4096x77x512xf32, #tpu.memory_space<hbm>> -> memref<1x77x512xf32, #tpu.memory_space<hbm>>
        %dma_wait3A_191 = tpu.memref_squeeze %dma_wait3A_190 : memref<1x77x512xf32, #tpu.memory_space<hbm>> -> memref<77x512xf32, #tpu.memory_space<hbm>>
        %dma_wait3A_192 = arith.constant 5 : i32
        %dma_wait3A_193 = arith.constant 0 : i32
        %dma_wait3A_194 = tpu.memref_slice %dma_wait3A_191[%dma_wait3A_192, %dma_wait3A_193] : memref<77x512xf32, #tpu.memory_space<hbm>> -> memref<72x512xf32, #tpu.memory_space<hbm>>
        %dma_wait3A_195 = arith.constant 1 : i32
        %dma_wait3A_196 = arith.constant 0 : i32
        %dma_wait3A_197 = tpu.memref_slice %arg7[%dma_wait3A_176, %dma_wait3A_195, %dma_wait3A_196] : memref<3x73x512xf32, #tpu.memory_space<vmem>> -> memref<1x72x512xf32, #tpu.memory_space<vmem>>
        %dma_wait3A_198 = tpu.memref_squeeze %dma_wait3A_197 : memref<1x72x512xf32, #tpu.memory_space<vmem>> -> memref<72x512xf32, #tpu.memory_space<vmem>>
        tpu.wait_dma2 semaphore(%arg12 : memref<!tpu.dma_semaphore, #tpu.memory_space<semaphore_mem>>) src(%dma_wait3A_198 : memref<72x512xf32, #tpu.memory_space<vmem>>) dst(%dma_wait3A_194 : memref<72x512xf32, #tpu.memory_space<hbm>>)
      } else {
      }
      %add3A_130 = arith.constant 1 : i32
      %add3A_131 = arith.addi %add3A_119, %add3A_130 : i32
      %lt3A_132 = arith.constant 128 : i32
      %lt3A_133 = arith.cmpi slt, %add3A_131, %lt3A_132 : i32
      %convert_element_type3A_134 = arith.extui %lt3A_133 : i1 to i32
      %cond3A_135 = arith.constant 0 : i32
      %cond3A_136 = arith.cmpi ne, %convert_element_type3A_134, %cond3A_135 : i32
      scf.if %cond3A_136 {
        %add3A_137 = arith.constant 1 : i32
        %add3A_138 = arith.addi %add3A_119, %add3A_137 : i32
        %dma_start3A_139 = arith.constant 0 : i32
        %dma_start3A_140 = arith.constant 0 : i32
        %dma_start3A_141 = arith.constant 0 : i32
        %dma_start3A_142 = tpu.memref_slice %arg7[%dma_start3A_139, %dma_start3A_140, %dma_start3A_141] : memref<3x73x512xf32, #tpu.memory_space<vmem>> -> memref<1x73x512xf32, #tpu.memory_space<vmem>>
        %dma_start3A_143 = tpu.memref_squeeze %dma_start3A_142 : memref<1x73x512xf32, #tpu.memory_space<vmem>> -> memref<73x512xf32, #tpu.memory_space<vmem>>
        %dma_start3A_144 = arith.constant 0 : i32
        %dma_start3A_145 = tpu.memref_slice %arg6[%add3A_138, %dma_start3A_144] : memref<128x73xi32, #tpu.memory_space<vmem>> -> memref<1x73xi32, #tpu.memory_space<vmem>>
        %dma_start3A_146 = tpu.memref_squeeze %dma_start3A_145 : memref<1x73xi32, #tpu.memory_space<vmem>> -> memref<73xi32, #tpu.memory_space<vmem>>
        %dma_start3A_147 = arith.constant 0 : i32
        %dma_start3A_148 = arith.constant 0 : i32
        %dma_start3A_149 = tpu.memref_slice %arg4[%dma_start3A_147, %dma_start3A_148] : memref<49408x512xf32, #tpu.memory_space<hbm>> -> memref<49408x512xf32, #tpu.memory_space<hbm>>
        tpu.enqueue_indirect_dma source(%dma_start3A_149 : memref<49408x512xf32, #tpu.memory_space<hbm>>) target(%dma_start3A_143 : memref<73x512xf32, #tpu.memory_space<vmem>>) offsets(%dma_start3A_146 : memref<73xi32, #tpu.memory_space<vmem>>) semaphore(%arg9 : memref<!tpu.dma_semaphore, #tpu.memory_space<semaphore_mem>>)
      } else {
      }
    }
    %scan3A_17 = arith.constant 43 : i32
    %add3A_18 = arith.constant 127 : i32
    %add3A_19 = arith.addi %mul3A_2, %add3A_18 : i32
    %dma_wait3A = arith.constant 1 : i32
    %dma_wait3A_20 = arith.constant 0 : i32
    %dma_wait3A_21 = arith.constant 0 : i32
    %dma_wait3A_22 = tpu.memref_slice %arg7[%dma_wait3A, %dma_wait3A_20, %dma_wait3A_21] : memref<3x73x512xf32, #tpu.memory_space<vmem>> -> memref<1x1x512xf32, #tpu.memory_space<vmem>>
    %dma_wait3A_23 = tpu.memref_squeeze %dma_wait3A_22 : memref<1x1x512xf32, #tpu.memory_space<vmem>> -> memref<1x512xf32, #tpu.memory_space<vmem>>
    %dma_wait3A_24 = arith.constant 0 : i32
    %dma_wait3A_25 = arith.constant 0 : i32
    %dma_wait3A_26 = tpu.memref_slice %arg5[%add3A_19, %dma_wait3A_24, %dma_wait3A_25] : memref<4096x77x512xf32, #tpu.memory_space<hbm>> -> memref<1x77x512xf32, #tpu.memory_space<hbm>>
    %dma_wait3A_27 = tpu.memref_squeeze %dma_wait3A_26 : memref<1x77x512xf32, #tpu.memory_space<hbm>> -> memref<77x512xf32, #tpu.memory_space<hbm>>
    %dma_wait3A_28 = arith.constant 0 : i32
    %dma_wait3A_29 = arith.constant 0 : i32
    %dma_wait3A_30 = tpu.memref_slice %dma_wait3A_27[%dma_wait3A_28, %dma_wait3A_29] : memref<77x512xf32, #tpu.memory_space<hbm>> -> memref<1x512xf32, #tpu.memory_space<hbm>>
    %dma_wait3A_31 = arith.constant 0 : i32
    %dma_wait3A_32 = arith.constant 0 : i32
    %dma_wait3A_33 = tpu.memref_slice %arg5[%add3A_19, %dma_wait3A_31, %dma_wait3A_32] : memref<4096x77x512xf32, #tpu.memory_space<hbm>> -> memref<1x77x512xf32, #tpu.memory_space<hbm>>
    %dma_wait3A_34 = tpu.memref_squeeze %dma_wait3A_33 : memref<1x77x512xf32, #tpu.memory_space<hbm>> -> memref<77x512xf32, #tpu.memory_space<hbm>>
    %dma_wait3A_35 = arith.constant 0 : i32
    %dma_wait3A_36 = arith.constant 0 : i32
    %dma_wait3A_37 = tpu.memref_slice %dma_wait3A_34[%dma_wait3A_35, %dma_wait3A_36] : memref<77x512xf32, #tpu.memory_space<hbm>> -> memref<1x512xf32, #tpu.memory_space<hbm>>
    %dma_wait3A_38 = arith.constant 0 : i32
    %dma_wait3A_39 = arith.constant 0 : i32
    %dma_wait3A_40 = tpu.memref_slice %arg7[%dma_wait3A, %dma_wait3A_38, %dma_wait3A_39] : memref<3x73x512xf32, #tpu.memory_space<vmem>> -> memref<1x1x512xf32, #tpu.memory_space<vmem>>
    %dma_wait3A_41 = tpu.memref_squeeze %dma_wait3A_40 : memref<1x1x512xf32, #tpu.memory_space<vmem>> -> memref<1x512xf32, #tpu.memory_space<vmem>>
    tpu.wait_dma2 semaphore(%arg13 : memref<!tpu.dma_semaphore, #tpu.memory_space<semaphore_mem>>) src(%dma_wait3A_41 : memref<1x512xf32, #tpu.memory_space<vmem>>) dst(%dma_wait3A_37 : memref<1x512xf32, #tpu.memory_space<hbm>>)
    %dma_wait3A_42 = arith.constant 0 : i32
    %dma_wait3A_43 = arith.constant 0 : i32
    %dma_wait3A_44 = tpu.memref_slice %arg5[%add3A_19, %dma_wait3A_42, %dma_wait3A_43] : memref<4096x77x512xf32, #tpu.memory_space<hbm>> -> memref<1x77x512xf32, #tpu.memory_space<hbm>>
    %dma_wait3A_45 = tpu.memref_squeeze %dma_wait3A_44 : memref<1x77x512xf32, #tpu.memory_space<hbm>> -> memref<77x512xf32, #tpu.memory_space<hbm>>
    %dma_wait3A_46 = arith.constant 1 : i32
    %dma_wait3A_47 = arith.constant 0 : i32
    %dma_wait3A_48 = tpu.memref_slice %dma_wait3A_45[%dma_wait3A_46, %dma_wait3A_47] : memref<77x512xf32, #tpu.memory_space<hbm>> -> memref<4x512xf32, #tpu.memory_space<hbm>>
    %dma_wait3A_49 = arith.constant 0 : i32
    %dma_wait3A_50 = arith.constant 0 : i32
    %dma_wait3A_51 = tpu.memref_slice %arg5[%add3A_19, %dma_wait3A_49, %dma_wait3A_50] : memref<4096x77x512xf32, #tpu.memory_space<hbm>> -> memref<1x77x512xf32, #tpu.memory_space<hbm>>
    %dma_wait3A_52 = tpu.memref_squeeze %dma_wait3A_51 : memref<1x77x512xf32, #tpu.memory_space<hbm>> -> memref<77x512xf32, #tpu.memory_space<hbm>>
    %dma_wait3A_53 = arith.constant 1 : i32
    %dma_wait3A_54 = arith.constant 0 : i32
    %dma_wait3A_55 = tpu.memref_slice %dma_wait3A_52[%dma_wait3A_53, %dma_wait3A_54] : memref<77x512xf32, #tpu.memory_space<hbm>> -> memref<4x512xf32, #tpu.memory_space<hbm>>
    tpu.wait_dma2 semaphore(%arg13 : memref<!tpu.dma_semaphore, #tpu.memory_space<semaphore_mem>>) src(%arg8 : memref<4x512xf32, #tpu.memory_space<vmem>>) dst(%dma_wait3A_55 : memref<4x512xf32, #tpu.memory_space<hbm>>)
    %dma_wait3A_56 = arith.constant 1 : i32
    %dma_wait3A_57 = arith.constant 1 : i32
    %dma_wait3A_58 = arith.constant 0 : i32
    %dma_wait3A_59 = tpu.memref_slice %arg7[%dma_wait3A_56, %dma_wait3A_57, %dma_wait3A_58] : memref<3x73x512xf32, #tpu.memory_space<vmem>> -> memref<1x72x512xf32, #tpu.memory_space<vmem>>
    %dma_wait3A_60 = tpu.memref_squeeze %dma_wait3A_59 : memref<1x72x512xf32, #tpu.memory_space<vmem>> -> memref<72x512xf32, #tpu.memory_space<vmem>>
    %dma_wait3A_61 = arith.constant 0 : i32
    %dma_wait3A_62 = arith.constant 0 : i32
    %dma_wait3A_63 = tpu.memref_slice %arg5[%add3A_19, %dma_wait3A_61, %dma_wait3A_62] : memref<4096x77x512xf32, #tpu.memory_space<hbm>> -> memref<1x77x512xf32, #tpu.memory_space<hbm>>
    %dma_wait3A_64 = tpu.memref_squeeze %dma_wait3A_63 : memref<1x77x512xf32, #tpu.memory_space<hbm>> -> memref<77x512xf32, #tpu.memory_space<hbm>>
    %dma_wait3A_65 = arith.constant 5 : i32
    %dma_wait3A_66 = arith.constant 0 : i32
    %dma_wait3A_67 = tpu.memref_slice %dma_wait3A_64[%dma_wait3A_65, %dma_wait3A_66] : memref<77x512xf32, #tpu.memory_space<hbm>> -> memref<72x512xf32, #tpu.memory_space<hbm>>
    %dma_wait3A_68 = arith.constant 0 : i32
    %dma_wait3A_69 = arith.constant 0 : i32
    %dma_wait3A_70 = tpu.memref_slice %arg5[%add3A_19, %dma_wait3A_68, %dma_wait3A_69] : memref<4096x77x512xf32, #tpu.memory_space<hbm>> -> memref<1x77x512xf32, #tpu.memory_space<hbm>>
    %dma_wait3A_71 = tpu.memref_squeeze %dma_wait3A_70 : memref<1x77x512xf32, #tpu.memory_space<hbm>> -> memref<77x512xf32, #tpu.memory_space<hbm>>
    %dma_wait3A_72 = arith.constant 5 : i32
    %dma_wait3A_73 = arith.constant 0 : i32
    %dma_wait3A_74 = tpu.memref_slice %dma_wait3A_71[%dma_wait3A_72, %dma_wait3A_73] : memref<77x512xf32, #tpu.memory_space<hbm>> -> memref<72x512xf32, #tpu.memory_space<hbm>>
    %dma_wait3A_75 = arith.constant 1 : i32
    %dma_wait3A_76 = arith.constant 0 : i32
    %dma_wait3A_77 = tpu.memref_slice %arg7[%dma_wait3A_56, %dma_wait3A_75, %dma_wait3A_76] : memref<3x73x512xf32, #tpu.memory_space<vmem>> -> memref<1x72x512xf32, #tpu.memory_space<vmem>>
    %dma_wait3A_78 = tpu.memref_squeeze %dma_wait3A_77 : memref<1x72x512xf32, #tpu.memory_space<vmem>> -> memref<72x512xf32, #tpu.memory_space<vmem>>
    tpu.wait_dma2 semaphore(%arg13 : memref<!tpu.dma_semaphore, #tpu.memory_space<semaphore_mem>>) src(%dma_wait3A_78 : memref<72x512xf32, #tpu.memory_space<vmem>>) dst(%dma_wait3A_74 : memref<72x512xf32, #tpu.memory_space<hbm>>)
    return
  }
}

</mosaic_0001>

<sc_bundles>
// kernel: kernel.3.cloned.1.call-start
scs
__scs_entry_jumppad:
0x0: {  	(pc) =	sbr.rel $0x88, $3  }
0x1: {  	(tag) =	ssettag $0x0;
	lr =	simm.s32 $0x1  }
0x2: {  	[smem:$0x3F9E] =	sst lr;
	_ =	strace $0xD0000000  }
0x3: {  	_ = 	snop  }
0x4: {  	_ = 	snop  }
0x5: {  	_ = 	snop  }
0x6: {  	_ = 	snop  }
0x7: {  	_ = 	snop  }
__scs_overlays_trampoline_lowered:
0x8: {  	[smem:$0x3FAD] =	sst s0  }
0x9: {  	[smem:$0x3FAE] =	sst s1  }
0xa: {  	[smem:$0x3FAF] =	sst s2  }
0xb: {  	[smem:$0x3FB0] =	sst s3  }
0xc: {  	[smem:$0x3FB1] =	sst s4  }
0xd: {  	[smem:$0x3FB2] =	sst s5  }
0xe: {  	[smem:$0x3FB3] =	sst s6  }
0xf: {  	[smem:$0x3FB4] =	sst s7  }
0x10: {  	[smem:$0x3FB5] =	sst s8  }
0x11: {  	[smem:$0x3FB6] =	sst s9;
	s0 =	simm.s32 @!p0 $0x0  }
0x12: {  	s1 =	sld [smem:$0x3F9C];
	s0 =	simm.s32 @p0 $0x1  }
0x13: {  	[smem:$0x3FB7] =	sst s0;
	s0 =	simm.s32 @!p1 $0x0  }
0x14: {  	s2 =	sld [smem:$0x3F9B];
	s0 =	simm.s32 @p1 $0x1  }
0x15: {  	[smem:$0x3FB8] =	sst s0;
	s0 =	simm.s32 @!p2 $0x0  }
0x16: {  	s3 =	sld [smem:$0x3FDB];
	s0 =	simm.s32 @p2 $0x1  }
0x17: {  	s4 =	simm.s32 $0x1BF5;
	[smem:$0x3FBA] =	sst s0  }
0x18: {  	s0 =	sld [smem:$0x3F9D];
	_ =	swait.ge [sflag:s4], $0x0  }
0x19: {  	s7 =	sld [smem:$0x3F9E]  }
0x1a: {  	s8 =	sadd.s32 $0xFFFFE003, lr  }
0x1b: {  	s9 =	sadd.s32 $0xFFFFFEF7, lr;
	s5 =	simm.s32 $0xFFFFFFFF;
	p2 =	slt.u32 s8, $0xFFFFF086  }
0x1c: {  	p1 =	slt.u32 s9, $0xF7A;
	s5 =	simm.s32 @!p2 $0x0  }
0x1d: {  	s5 =	simm.s32 @p1 $0x1;
	p0 =	seq.s32 s7, s2  }
0x1e: {  	s7 =	smul.u32 @!p0 $0xF7A, s2;
	p2 =	seq.s32 @!p0 s5, $0x0  }
0x1f: {  	s9 =	smul.u32 $0xF7A, s1;
	s8 =	simm.s32 @!p0 $0x1BF5;
	p2 =	por !p2, p0  }
0x20: {  	[sflag:s8] =	ssyncset.s32 @!p0 $0xFFFFF086;
	s6 =	sadd.s32 @!p0 s3, s7;
	s7 =	simm.s32 @!p0 $0x108  }
0x21: {  	s3 =	sadd.s32 s3, s9;
	s6 =	sadd.s32 @!p0 $0x88, s6;
	s7 =	simm.s32 @p2 $0x1082  }
0x22: {  	[simem:s7], [sflag:s8] =	dma.local @!p0 [hbm:s6], $0xF7A  }
0x23: {  	s9 =	sor.u32 $0xD0000000, s2;
	s6 =	simm.s32 $0x108;
	_ =	swait.ge @!p0 [sflag:s8], $0x0  }
0x24: {  	s3 =	sadd.s32 $0x88, s3;
	s6 =	simm.s32 @!p1 $0x1082;
	[sflag:s4] =	ssyncset.s32 $0xFFFFF086  }
0x25: {  	[simem:s6], [sflag:s4] =	dma.local [hbm:s3], $0xF7A  }
0x26: {  	[smem:$0x3F9E] =	sst s1;
	(tag) =	ssettag s2;
	_ =	strace s9  }
0x27: {  	s1 =	sld [smem:$0x3FAE]  }
0x28: {  	s2 =	sld [smem:$0x3FAF]  }
0x29: {  	s4 =	sld [smem:$0x3FB1]  }
0x2a: {  	p0 =	seq.s32 s5, $0x0;
	s5 =	sld [smem:$0x3FB2]  }
0x2b: {  	s6 =	sld [smem:$0x3FB3]  }
0x2c: {  	s7 =	sld [smem:$0x3FB4]  }
0x2d: {  	s3 =	simm.s32 $0x108;
	s8 =	sld [smem:$0x3FB5]  }
0x2e: {  	s3 =	simm.s32 @!p0 $0x1082;
	s9 =	sld [smem:$0x3FB6]  }
0x2f: {  	lr =	sadd.s32 s0, s3;
	s0 =	sld [smem:$0x3FAD]  }
0x30: {  	s3 =	sld [smem:$0x3FB0]  }
0x31: {  	[smem:$0x3FB9] =	sst s10  }
0x32: {  	s10 =	sld [smem:$0x3FB7];
	_ =	sdelay $0x3  }
0x33: {  	p0 =	seq.s32 s10, $0x1;
	s10 =	sld [smem:$0x3FB9];
	_ =	sdelay $0x3  }
0x34: {  	[smem:$0x3FB9] =	sst s10  }
0x35: {  	s10 =	sld [smem:$0x3FB8];
	_ =	sdelay $0x3  }
0x36: {  	p1 =	seq.s32 s10, $0x1;
	s10 =	sld [smem:$0x3FB9];
	_ =	sdelay $0x3  }
0x37: {  	[smem:$0x3FB9] =	sst s10  }
0x38: {  	s10 =	sld [smem:$0x3FBA]  }
0x39: {  	_ = 	snop;
	(pc) =	sbr.ind lr, $3  }
0x3a: {  	_ = 	snop  }
0x3b: {  	_ = 	snop  }
0x3c: {  	p2 =	seq.s32 s10, $0x1;
	s10 =	sld [smem:$0x3FB9]  }
0x3d: {  	_ =	shalt  }
0x3e: {  	_ =	shalt  }
0x3f: {  	_ =	shalt  }
0x40: {  	_ =	shalt  }
0x41: {  	_ =	shalt  }
0x42: {  	_ =	shalt  }
0x43: {  	_ =	shalt  }
0x44: {  	_ =	shalt  }
0x45: {  	_ =	shalt  }
0x46: {  	_ =	shalt  }
0x47: {  	_ =	shalt  }
0x48: {  	_ =	shalt  }
0x49: {  	_ =	shalt  }
0x4a: {  	_ =	shalt  }
0x4b: {  	_ =	shalt  }
0x4c: {  	_ =	shalt  }
0x4d: {  	_ =	shalt  }
0x4e: {  	_ =	shalt  }
0x4f: {  	_ =	shalt  }
0x50: {  	_ =	shalt  }
0x51: {  	_ =	shalt  }
0x52: {  	_ =	shalt  }
0x53: {  	_ =	shalt  }
0x54: {  	_ =	shalt  }
0x55: {  	_ =	shalt  }
0x56: {  	_ =	shalt  }
0x57: {  	_ =	shalt  }
0x58: {  	_ =	shalt  }
0x59: {  	_ =	shalt  }
0x5a: {  	_ =	shalt  }
0x5b: {  	_ =	shalt  }
0x5c: {  	_ =	shalt  }
0x5d: {  	_ =	shalt  }
0x5e: {  	_ =	shalt  }
0x5f: {  	_ =	shalt  }
0x60: {  	_ =	shalt  }
0x61: {  	_ =	shalt  }
0x62: {  	_ =	shalt  }
0x63: {  	_ =	shalt  }
0x64: {  	_ =	shalt  }
0x65: {  	_ =	shalt  }
0x66: {  	_ =	shalt  }
0x67: {  	_ =	shalt  }
0x68: {  	_ =	shalt  }
0x69: {  	_ =	shalt  }
0x6a: {  	_ =	shalt  }
0x6b: {  	_ =	shalt  }
0x6c: {  	_ =	shalt  }
0x6d: {  	_ =	shalt  }
0x6e: {  	_ =	shalt  }
0x6f: {  	_ =	shalt  }
0x70: {  	_ =	shalt  }
0x71: {  	_ =	shalt  }
0x72: {  	_ =	shalt  }
0x73: {  	_ =	shalt  }
0x74: {  	_ =	shalt  }
0x75: {  	_ =	shalt  }
0x76: {  	_ =	shalt  }
0x77: {  	_ =	shalt  }
0x78: {  	_ =	shalt  }
0x79: {  	_ =	shalt  }
0x7a: {  	_ =	shalt  }
0x7b: {  	_ =	shalt  }
0x7c: {  	_ =	shalt  }
0x7d: {  	_ =	shalt  }
0x7e: {  	_ =	shalt  }
0x7f: {  	_ =	shalt  }
0x80: {  	_ =	shalt  }
0x81: {  	_ =	shalt  }
0x82: {  	_ =	shalt  }
0x83: {  	_ =	shalt  }
0x84: {  	_ =	shalt  }
0x85: {  	_ =	shalt  }
0x86: {  	_ =	shalt  }
0x87: {  	_ =	shalt  }
.Lfunc_end0:
.L_simem_size_0:
called_computation.2_lowered:
.L_overlay_start_0:
0x88: {  	s2 =	sld [smem:$0x3FD9]  }
0x89: {  	s3 =	sld [smem:$0x3FFE];
	_ =	sdelay $0x1  }
0x8a: {  	s1 =	srdreg.scid  }
0x8b: {  	s0 =	sand.u32 $0x1, s1  }
0x8c: {  	s17 =	sshll.u32 s0, $0xA;
	s2 =	sadd.s32 s3, s2  }
0x8d: {  	s2 =	sadd.s32 s2, s17  }
0x8e: {  	[smem:$0x3FC5] =	sst s2  }
0x8f: {  	_ = 	snop  }
0x90: {  	s2 =	sld [smem:$0x3FD0];
	(tm) =	ssettm $0x1  }
0x91: {  	s18 =	sld [smem:$0x3FFB];
	_ =	sdelay $0x3  }
0x92: {  	_ =	strace s18  }
0x93: {  	s3 =	sld [smem:$0x3FFC];
	_ =	sdelay $0x3  }
0x94: {  	_ =	strace s3  }
0x95: {  	s3 =	sld [smem:$0x3FFD];
	_ =	sdelay $0x3  }
0x96: {  	_ =	strace s3  }
0x97: {  	_ =	strace $0x8FFFFFFF  }
0x98: {  	s19 =	sld [smem:$0x3FDB];
	_ =	sdelay $0x1  }
0x99: {  	s4 =	simm.s32 $_scs_section_size  }
0x9a: {  	s5 =	simm.s32 $_size__tile_overlayer_lowered;
	s6 =	simm.s32 $_tile_overlayer_lowered  }
0x9b: {  	s22 =	simm.s32 $0x1BFF;
	s21 =	sshll.u32 s6, $0x1;
	s3 =	sadd.s32 s4, s19  }
0x9c: {  	s7 =	simm.s32 $0x0;
	s20 =	sshll.u32 s5, $0x1;
	s5 =	sadd.s32 s21, s3  }
0x9d: {  	[timem:s7], [sflag:s22] =	dma.local [hbm:s5], s20  }
0x9e: {  	_ =	swait.ge [sflag:s22], s20  }
0x9f: {  	s4 =	ssub.s32 $0x0, s20;
	[sflag:s22] =	ssyncset.done $0x0  }
0xa0: {  	[sflag:s22] =	ssyncadd.s32 s4;
	_ =	sdelay $0x1  }
0xa1: {  	s23 =	simm.s32 $0x1B8B  }
0xa2: {  	_ =	swait.ge [sflag:s23], $0x1  }
0xa3: {  	[sflag:s23] =	ssyncset.done $0x0  }
0xa4: {  	s25 =	simm.s32 $0x1B8E;
	s24 =	sld [smem:$0x3FFE];
	[sflag:s23] =	ssyncadd.s32 $0xFFFFFFFF  }
0xa5: {  	s26 =	simm.s32 $execute0_lowered;
	[smem:$0x3FD2] =	sst s25  }
0xa6: {  	s5 =	sshll.u32 s26, $0x1;
	_ =	strace $0x80000049;
	[dreg:$0x1] =	wrdreg $0xFFFFFFFF  }
0xa7: {  	s28 =	simm.s32 $_size_execute0_lowered;
	s3 =	sadd.s32 s3, s5;
	[dreg:$0x0] =	wrdreg $0x0  }
0xa8: {  	s5 =	sshll.u32 s28, $0x1;
	[dreg:$0x2] =	wrdreg s3  }
0xa9: {  	[dreg:$0x3] =	wrdreg s5  }
0xaa: {  	[dreg:$0x4] =	wrdreg $0xC0  }
0xab: {  	_ =	task [dreg:s7], $0x5FFFF  }
0xac: {  	[dreg:$0x1] =	wrdreg $0xFFFFFFFF  }
0xad: {  	[dreg:$0x0] =	wrdreg $0x60  }
0xae: {  	[dreg:$0x2] =	wrdreg s24  }
0xaf: {  	[dreg:$0x3] =	wrdreg s2  }
0xb0: {  	[dreg:$0x4] =	wrdreg $0x9  }
0xb1: {  	_ =	task.clear_ibuf [dreg:s7], $0x5FFFF;
	_ =	strace $0x90000049  }
0xb2: {  	s29 =	simm.s32 $0x9;
	_ =	strace $0x8000004B  }
0xb3: {  	_ =	swait.ge [sflag:s29], $0x1  }
0xb4: {  	[sflag:s29] =	ssyncadd.s32 $0xFFFFFFFF  }
0xb5: {  	_ =	strace $0x9000004B  }
0xb6: {  	_ =	sfence  }
0xb7: {  	s30 =	sld [smem:$0x0];
	_ =	sdelay $0x2  }
0xb8: {  	s31 =	sshll.u32 s1, $0xD;
	s1 =	sshrl.u32 s1, $0x2  }
0xb9: {  	s3 =	sand.u32 $0x4000, s31;
	s1 =	sadd.s32 s1, s30  }
0xba: {  	s0 =	sor.u32 s3, s0;
	s1 =	sshll.u32 s1, $0x11  }
0xbb: {  	s0 =	sor.u32 s1, s0  }
0xbc: {  	s0 =	sadd.s32 $0x8F2B, s0  }
0xbd: {  	[sflag:s0] =	ssyncadd.remote.s32 $0x1  }
0xbe: {  	_ =	sfence.sel $0xFFFF  }
0xbf: {  	[dreg:$0x0] =	wrdreg $0xFFFFFFFF;
	(pc) =	sbr.abs _section_cstart, $3  }
0xc0: {  	[dreg:$0x1] =	wrdreg $0xFFFFFFFF  }
0xc1: {  	_ =	task.clear_ibuf [dreg:s7], $0x2FFFF;
	_ =	strace $0x9FFFFFFF  }
0xc2: {  	(tm) =	ssettm $0x7FFFFFFF  }
0xc3: {  	_ =	shalt  }
tec
execute0_lowered:
.L_overlay_start_1:
0x0: {  	(tag) =	ssettag $0x1  }
0x1: {  	s1 =	srdreg.scid;
	s4 =	rddreg [dreg:$0x0]  }
0x2: {  	s0 =	stileid.u32;
	s6 =	rddreg [dreg:$0x1];
	s2 =	simm.s32 $0x0  }
0x3: {  	s12 =	simm.s32 $0x1;
	s13 =	simm.s32 $0x2A00;
	s14 =	simm.s32 $0xBA00  }
0x4: {  	s15 =	simm.s32 $0x2;
	s16 =	simm.s32 $0xBC00;
	s17 =	simm.s32 $0x4  }
0x5: {  	s18 =	simm.s32 $0x5;
	s19 =	simm.s32 $0x14C00;
	s20 =	simm.s32 $0x3  }
0x6: {  	s21 =	simm.s32 $0x14E00;
	s5 =	sand.u32 $0x1, s1;
	s1 =	rddreg [dreg:$0x2]  }
0x7: {  	s22 =	simm.s32 $0x0;
	s3 =	sshll.u32 s0, $0x8;
	[smem:$0x7FF] =	sst s2  }
0x8: {  	s9 =	smul.u32 $0x134000, s0;
	s7 =	sshll.u32 s5, $0x7;
	_ =	strace $0x8000004A  }
0x9: {  	s8 =	ssub.s32 $0x2, s5;
	s11 =	smul.u32 $0x9A000, s5;
	s3 =	sor.u32 s7, s3  }
.Ltmp0:
0xa: {  	s10 =	sshrl.u32 s8, $0x1;
	s9 =	sadd.s32 s9, s6;
	(pc) =	sbr.rel .LBB2_1-.Ltmp0, $4  }
0xb: {  	s3 =	smul.u32 $0xA, s3;
	s8 =	ssub.s32 s8, s10;
	s7 =	sadd.s32 s11, s9  }
0xc: {  	s9 =	simm.s32 $0x7;
	s10 =	simm.s32 $0x49;
	s11 =	simm.s32 $0x2800  }
0xd: {  	s6 =	smax.u32 s8, $0x1;
	s31 =	sadd.s32 s3, s4;
	s3 =	sadd.s32 $0x305400, s4  }
0xe: {  	s8 =	simm.s32 $0x1DE00;
	s4 =	sadd.s32 $0x1400, s4;
	s5 =	sadd.s32 $0x305600, s31  }
.LBB2_4:
0xf: {  	_ =	swait.ge [sflag:s18], $0x200  }
0x10: {  	[sflag:s18] =	ssyncset.done $0x0  }
0x11: {  	s22 =	sadd.s32 $0x1, s22;
	[sflag:s18] =	ssyncadd.s32 $0xFFFFFE00  }
0x12: {  	p0 =	sne.s32 s22, s6;
	_ =	swait.ge [sflag:s18], $0x800  }
.Ltmp1:
0x13: {  	[sflag:s18] =	ssyncset.done $0x0;
	(pc) =	sbr.rel @!p0 .LBB2_5-.Ltmp1, $4  }
0x14: {  	[sflag:s18] =	ssyncadd.s32 $0xFFFFF800  }
0x15: {  	_ =	swait.ge [sflag:s18], $0x9000  }
0x16: {  	[sflag:s18] =	ssyncset.done $0x0  }
0x17: {  	[sflag:s18] =	ssyncadd.s32 $0xFFFF7000  }
.LBB2_1:
0x18: {  	[tilespmem:s8], [sflag:$0x7] =	stream.linear.gather [hbm4b:s3+s2], $0x800, $0x38;
	[tilespmem:$0x1E600] =	vst v63  }
0x19: {  	_ =	swait.ge [sflag:s9], $0x800  }
0x1a: {  	[sflag:s9] =	ssyncset.done $0x0  }
0x1b: {  	[sflag:s9] =	ssyncadd.s32 $0xFFFFF800  }
0x1c: {  	[tilespmem:s2], [sflag:$0x7] =	stream.linear.gather [hbm4b:s5+s2], $0x2800, $0x38;
	[tilespmem:$0x1E600] =	vst v63  }
0x1d: {  	_ =	swait.ge [sflag:s9], $0x2800  }
0x1e: {  	[sflag:s9] =	ssyncset.done $0x0  }
0x1f: {  	s23 =	smov.u32 s7;
	s24 =	simm.s32 $0x0;
	[sflag:s9] =	ssyncadd.s32 $0xFFFFD800  }
0x20: {  	[tilespmem:s11], [sflag:$0x1] =	stream.indirect.gather [hbm4b:s4+s10], $0x200, s2, s10, $0xb8;
	[tilespmem:$0x1E600] =	vst v63  }
.LBB2_2:
0x21: {  	_ =	swait.ge [sflag:s12], $0x9200  }
0x22: {  	[sflag:s12] =	ssyncset.done $0x0  }
0x23: {  	[sflag:s12] =	ssyncadd.s32 $0xFFFF6E00  }
0x24: {  	[hbm4b:s23+s2] =	stream.linear.scatter [tilespmem:s11], [sflag:$0x4], $0x200, $0x38;
	[tilespmem:$0x1E600] =	vst v63  }
0x25: {  	s25 =	sadd.s32 $0x40, s23  }
0x26: {  	[hbm4b:s25+s2] =	stream.linear.scatter [tilespmem:s8], [sflag:$0x4], $0x800, $0x38;
	[tilespmem:$0x1E600] =	vst v63  }
0x27: {  	s26 =	sadd.s32 $0x140, s23;
	p0 =	seq.s32 s24, $0x0  }
0x28: {  	[hbm4b:s26+s2] =	stream.linear.scatter [tilespmem:s13], [sflag:$0x4], $0x9000, $0x38;
	[tilespmem:$0x1E600] =	vst v63  }
0x29: {  	s26 =	simm.s32 @!p0 $0x5  }
0x2a: {  	_ =	swait.ge @!p0 [sflag:s26], $0x200  }
0x2b: {  	[sflag:s26] =	ssyncset.done @!p0 $0x0  }
0x2c: {  	[sflag:s26] =	ssyncadd.s32 @!p0 $0xFFFFFE00  }
0x2d: {  	_ =	swait.ge @!p0 [sflag:s26], $0x800  }
0x2e: {  	[sflag:s26] =	ssyncset.done @!p0 $0x0  }
0x2f: {  	[sflag:s26] =	ssyncadd.s32 @!p0 $0xFFFFF800  }
0x30: {  	_ =	swait.ge @!p0 [sflag:s26], $0x9000  }
0x31: {  	s25 =	sshra.s32 s24, $0x2;
	[sflag:s26] =	ssyncset.done @!p0 $0x0  }
0x32: {  	s28 =	sadd.s32 $0x50, s25;
	[sflag:s26] =	ssyncadd.s32 @!p0 $0xFFFF7000  }
0x33: {  	[tilespmem:s14], [sflag:$0x2] =	stream.indirect.gather [hbm4b:s4+s10], $0x200, s28, s10, $0xb8;
	[tilespmem:$0x1E600] =	vst v63  }
0x34: {  	_ =	swait.ge [sflag:s15], $0x9200  }
0x35: {  	[sflag:s15] =	ssyncset.done $0x0  }
0x36: {  	s29 =	sadd.s32 $0x1340, s23;
	[sflag:s15] =	ssyncadd.s32 $0xFFFF6E00  }
0x37: {  	[hbm4b:s29+s2] =	stream.linear.scatter [tilespmem:s14], [sflag:$0x5], $0x200, $0x38;
	[tilespmem:$0x1E600] =	vst v63  }
0x38: {  	s30 =	sadd.s32 $0x1380, s23  }
0x39: {  	[hbm4b:s30+s2] =	stream.linear.scatter [tilespmem:s8], [sflag:$0x5], $0x800, $0x38;
	[tilespmem:$0x1E600] =	vst v63  }
0x3a: {  	s31 =	sadd.s32 $0x1480, s23;
	s26 =	simm.s32 @!p0 $0x6  }
0x3b: {  	[hbm4b:s31+s2] =	stream.linear.scatter [tilespmem:s16], [sflag:$0x5], $0x9000, $0x38;
	[tilespmem:$0x1E600] =	vst v63  }
0x3c: {  	_ =	swait.ge @!p0 [sflag:s26], $0x200  }
0x3d: {  	[sflag:s26] =	ssyncset.done @!p0 $0x0  }
0x3e: {  	[sflag:s26] =	ssyncadd.s32 @!p0 $0xFFFFFE00  }
0x3f: {  	_ =	swait.ge @!p0 [sflag:s26], $0x800  }
0x40: {  	[sflag:s26] =	ssyncset.done @!p0 $0x0  }
0x41: {  	[sflag:s26] =	ssyncadd.s32 @!p0 $0xFFFFF800  }
0x42: {  	p1 =	seq.s32 @!p0 s24, $0x9D80;
	_ =	swait.ge @!p0 [sflag:s26], $0x9000  }
0x43: {  	p1 =	por p0, !p1;
	[sflag:s26] =	ssyncset.done @!p0 $0x0  }
0x44: {  	[sflag:s26] =	ssyncadd.s32 @!p0 $0xFFFF7000;
	s26 =	sadd.s32 @p1 $0xA0, s25  }
0x45: {  	[tilespmem:s19], [sflag:$0x3] =	stream.indirect.gather @p1 [hbm4b:s4+s10], $0x200, s26, s10, $0xb8;
	[tilespmem:$0x1E600] =	vst v63  }
0x46: {  	_ =	swait.ge @p1 [sflag:s20], $0x9200  }
0x47: {  	[sflag:s20] =	ssyncset.done @p1 $0x0  }
0x48: {  	s26 =	sadd.s32 @p1 $0x2680, s23;
	[sflag:s20] =	ssyncadd.s32 @p1 $0xFFFF6E00  }
0x49: {  	[hbm4b:s26+s2] =	stream.linear.scatter @p1 [tilespmem:s19], [sflag:$0x6], $0x200, $0x38;
	[tilespmem:$0x1E600] =	vst v63  }
0x4a: {  	s26 =	sadd.s32 @p1 $0x26C0, s23  }
0x4b: {  	[hbm4b:s26+s2] =	stream.linear.scatter @p1 [tilespmem:s8], [sflag:$0x6], $0x800, $0x38;
	[tilespmem:$0x1E600] =	vst v63  }
0x4c: {  	s26 =	sadd.s32 @p1 $0x27C0, s23  }
0x4d: {  	[hbm4b:s26+s2] =	stream.linear.scatter @p1 [tilespmem:s21], [sflag:$0x6], $0x9000, $0x38;
	[tilespmem:$0x1E600] =	vst v63  }
0x4e: {  	_ =	swait.ge [sflag:s17], $0x200  }
0x4f: {  	[sflag:s17] =	ssyncset.done $0x0  }
0x50: {  	[sflag:s17] =	ssyncadd.s32 $0xFFFFFE00  }
0x51: {  	p0 =	seq.s32 s24, $0x9D80;
	_ =	swait.ge [sflag:s17], $0x800  }
.Ltmp2:
0x52: {  	[sflag:s17] =	ssyncset.done $0x0;
	(pc) =	sbr.rel @p0 .LBB2_4-.Ltmp2, $4  }
0x53: {  	[sflag:s17] =	ssyncadd.s32 $0xFFFFF800  }
0x54: {  	_ =	swait.ge [sflag:s17], $0x9000  }
0x55: {  	[sflag:s17] =	ssyncset.done $0x0  }
0x56: {  	[sflag:s17] =	ssyncadd.s32 $0xFFFF7000  }
.Ltmp3:
0x57: {  	(pc) =	sbr.rel .LBB2_2-.Ltmp3, $3  }
0x58: {  	_ =	sdelay $0x1  }
0x59: {  	s25 =	sadd.s32 $0xF0, s25;
	s24 =	sadd.s32 $0x3C0, s24;
	s23 =	sadd.s32 $0x39C0, s23  }
0x5a: {  	[tilespmem:s11], [sflag:$0x1] =	stream.indirect.gather [hbm4b:s4+s10], $0x200, s25, s10, $0xb8;
	[tilespmem:$0x1E600] =	vst v63  }
.LBB2_5:
0x5b: {  	_ =	sfence.sel $0x180000  }
0x5c: {  	[bflag:$0x0] =	sbarrier.arrive $0xFFFF  }
0x5d: {  	p0 =	sne.s32 s0, $0x0;
	_ =	strace $0x9000004A  }
0x5e: {  	s0 =	sadd.s32 @!p0 $0x100000, s1;
	[bflag:$0x2] =	sbarrier.arrive $0xFFFF  }
0x5f: {  	[sflag:s0] =	ssyncadd.tile.s32 @!p0 $0x1;
	_ =	shalt  }
.Lfunc_end2:
_tile_overlayer_lowered:
.L_overlay_start_2:
0x60: {  	(tag) =	ssettag $0x2  }
0x61: {  	s0 =	rddreg [dreg:$0x0];
	s2 =	stileid.u32  }
0x62: {  	s1 =	rddreg [dreg:$0x1];
	p0 =	sne.s32 s2, $0x0  }
0x63: {  	s3 =	rddreg [dreg:$0x2];
	[bflag:$0x3] =	sbarrier.arrive $0xFFFF;
	s2 =	simm.s32 @!p0 $0x1C07  }
0x64: {  	[timem:s3], [sflag:s2] =	dma.local @!p0 [hbm:s0], s1  }
0x65: {  	s0 =	simm.s32 @!p0 $0x7  }
0x66: {  	_ =	swait.ge @!p0 [sflag:s0], s1  }
0x67: {  	s1 =	ssub.s32 @!p0 $0x0, s1;
	[sflag:s0] =	ssyncset.done @!p0 $0x0  }
0x68: {  	[sflag:s0] =	ssyncadd.s32 @!p0 s1  }
0x69: {  	[bflag:$0x3] =	sbarrier.arrive $0xFFFF  }
0x6a: {  	_ =	shalt  }

// kernel: sparse-core-data-format-call.1.cloned.1.call-start
scs
called_computation.1_lowered:
.L_overlay_start_0:
0x0: {  	s2 =	sld [smem:$0x3FD9]  }
0x1: {  	s3 =	sld [smem:$0x3FFE];
	_ =	sdelay $0x1  }
0x2: {  	s1 =	srdreg.scid  }
0x3: {  	s0 =	sand.u32 $0x1, s1  }
0x4: {  	s18 =	sshll.u32 s0, $0xA;
	s2 =	sadd.s32 s3, s2  }
0x5: {  	s2 =	sadd.s32 s2, s18  }
0x6: {  	[smem:$0x3FC5] =	sst s2  }
0x7: {  	_ = 	snop  }
0x8: {  	s2 =	sld [smem:$0x3FC7];
	(tm) =	ssettm $0x1  }
0x9: {  	s19 =	sld [smem:$0x3FFB];
	_ =	sdelay $0x3  }
0xa: {  	_ =	strace s19  }
0xb: {  	s3 =	sld [smem:$0x3FFC];
	_ =	sdelay $0x3  }
0xc: {  	_ =	strace s3  }
0xd: {  	s3 =	sld [smem:$0x3FFD];
	_ =	sdelay $0x3  }
0xe: {  	_ =	strace s3  }
0xf: {  	_ =	strace $0x8FFFFFFF  }
0x10: {  	s20 =	sld [smem:$0x3FDB];
	_ =	sdelay $0x1  }
0x11: {  	s4 =	simm.s32 $_scs_section_size  }
0x12: {  	s5 =	simm.s32 $_size__tile_overlayer_lowered;
	s6 =	simm.s32 $_tile_overlayer_lowered  }
0x13: {  	s23 =	simm.s32 $0x1BFF;
	s22 =	sshll.u32 s6, $0x1;
	s3 =	sadd.s32 s4, s20  }
0x14: {  	s7 =	simm.s32 $0x0;
	s21 =	sshll.u32 s5, $0x1;
	s5 =	sadd.s32 s22, s3  }
0x15: {  	[timem:s7], [sflag:s23] =	dma.local [hbm:s5], s21  }
0x16: {  	_ =	swait.ge [sflag:s23], s21  }
0x17: {  	s4 =	ssub.s32 $0x0, s21;
	[sflag:s23] =	ssyncset.done $0x0  }
0x18: {  	[sflag:s23] =	ssyncadd.s32 s4;
	_ =	sdelay $0x1  }
0x19: {  	s24 =	simm.s32 $0x1B8B  }
0x1a: {  	_ =	swait.ge [sflag:s24], $0x1  }
0x1b: {  	[sflag:s24] =	ssyncset.done $0x0  }
0x1c: {  	s26 =	simm.s32 $0x1B8E;
	s25 =	sld [smem:$0x3FFE];
	[sflag:s24] =	ssyncadd.s32 $0xFFFFFFFF  }
0x1d: {  	s27 =	simm.s32 $execute0_lowered;
	[smem:$0x3FD2] =	sst s26  }
0x1e: {  	s5 =	sshll.u32 s27, $0x1;
	_ =	strace $0x80000046;
	[dreg:$0x1] =	wrdreg $0xFFFFFFFF  }
0x1f: {  	s28 =	simm.s32 $_size_execute0_lowered;
	s3 =	sadd.s32 s3, s5;
	[dreg:$0x0] =	wrdreg $0x0  }
0x20: {  	s5 =	sshll.u32 s28, $0x1;
	[dreg:$0x2] =	wrdreg s3  }
0x21: {  	[dreg:$0x3] =	wrdreg s5  }
0x22: {  	[dreg:$0x4] =	wrdreg $0xC0  }
0x23: {  	_ =	task [dreg:s7], $0x5FFFF  }
0x24: {  	[dreg:$0x1] =	wrdreg $0xFFFFFFFF  }
0x25: {  	[dreg:$0x0] =	wrdreg $0x60  }
0x26: {  	[dreg:$0x2] =	wrdreg s2  }
0x27: {  	[dreg:$0x3] =	wrdreg s25  }
0x28: {  	[dreg:$0x4] =	wrdreg $0x9  }
0x29: {  	_ =	task.clear_ibuf [dreg:s7], $0x5FFFF;
	_ =	strace $0x90000046  }
0x2a: {  	s29 =	simm.s32 $0x9;
	_ =	strace $0x80000048  }
0x2b: {  	_ =	swait.ge [sflag:s29], $0x1  }
0x2c: {  	[sflag:s29] =	ssyncadd.s32 $0xFFFFFFFF  }
0x2d: {  	_ =	strace $0x90000048  }
0x2e: {  	_ =	sfence  }
0x2f: {  	s30 =	sld [smem:$0x0];
	_ =	sdelay $0x2  }
0x30: {  	s31 =	sshll.u32 s1, $0xD;
	s1 =	sshrl.u32 s1, $0x2  }
0x31: {  	s3 =	sand.u32 $0x4000, s31;
	s1 =	sadd.s32 s1, s30  }
0x32: {  	s0 =	sor.u32 s3, s0;
	s1 =	sshll.u32 s1, $0x11  }
0x33: {  	s0 =	sor.u32 s1, s0  }
0x34: {  	s0 =	sadd.s32 $0x8F2B, s0  }
0x35: {  	[sflag:s0] =	ssyncadd.remote.s32 $0x1  }
0x36: {  	_ =	sfence.sel $0xFFFF  }
0x37: {  	[dreg:$0x0] =	wrdreg $0xFFFFFFFF;
	(pc) =	sbr.abs _section_cstart, $3  }
0x38: {  	[dreg:$0x1] =	wrdreg $0xFFFFFFFF  }
0x39: {  	_ =	task.clear_ibuf [dreg:s7], $0x2FFFF;
	_ =	strace $0x9FFFFFFF  }
0x3a: {  	(tm) =	ssettm $0x7FFFFFFF  }
0x3b: {  	_ =	shalt  }
tec
execute0_lowered:
.L_overlay_start_1:
0x0: {  	(tag) =	ssettag $0x1  }
0x1: {  	s0 =	srdreg.scid  }
0x2: {  	s1 =	sshll.u32 s0, $0x4  }
0x3: {  	s2 =	rddreg [dreg:$0x0];
	s0 =	stileid.u32;
	s1 =	sand.u32 $0x10, s1  }
0x4: {  	s4 =	rddreg [dreg:$0x1];
	s7 =	simm.s32 $0x1;
	s1 =	sor.u32 s0, s1  }
0x5: {  	s8 =	simm.s32 $0x2;
	s9 =	simm.s32 $0x0;
	s3 =	sshll.u32 s1, $0x2  }
0x6: {  	s12 =	simm.s32 $0x0;
	s11 =	simm.s32 $0x0;
	s6 =	ssub.s32 $0x1820, s3  }
.Ltmp0:
0x7: {  	s4 =	sadd.s32 $0x1400, s4;
	s5 =	sand.u32 $0x7C, s6;
	(pc) =	sbr.rel .LBB1_1-.Ltmp0, $4  }
0x8: {  	s1 =	rddreg [dreg:$0x2];
	_ =	strace $0x80000047;
	p0 =	sne.s32 s5, $0x0  }
0x9: {  	s6 =	sshrl.u32 s6, $0x7;
	s5 =	simm.s32 $0x1;
	s7 =	simm.s32 @!p0 $0x0  }
0xa: {  	s10 =	smov.u32 s3;
	[sflag:s5] =	ssyncpa.u1 $0x0;
	s6 =	sadd.s32 s7, s6  }
0xb: {  	[sflag:s8] =	ssyncpa.u1 $0x0;
	s8 =	simm.s32 $0x0;
	s7 =	sadd.s32 $0x1, s6  }
.LBB1_9:
0xc: {  	s14 =	sadd.s32 $0x80, s10  }
0xd: {  	p1 =	sgt.s32 s14, $0x181F  }
0xe: {  	s14 =	smov.u32 @p1 s3;
	p1 =	sne.s32 s11, s7  }
.Ltmp1:
0xf: {  	p0 =	slt.u32 s11, $0x2;
	(pc) =	sbr.rel @!p1 .LBB1_10-.Ltmp1, $4  }
0x10: {  	s13 =	simm.s32 @!p0 $0x2  }
0x11: {  	s15 =	sadd.s32 $0x1, s11;
	_ =	swait.ge @!p0 [sflag:s13], $0x4000  }
0x12: {  	s12 =	smov.u32 s10;
	s9 =	sadd.s32 $0x4000, s9;
	[sflag:s13] =	ssyncset.done @!p0 $0x0  }
0x13: {  	s11 =	smov.u32 s15;
	s10 =	smov.u32 s14;
	[sflag:s13] =	ssyncadd.s32 @!p0 $0xFFFFC000  }
.LBB1_1:
0x14: {  	p0 =	sge.u32 s11, s6  }
0x15: {  	s13 =	sxor.u32 @!p0 $0xFFFFFFFF, s11  }
0x16: {  	s31 =	sadd.s32 $0xFFFFFFFF, s11;
	s14 =	sshll.u32 @!p0 s10, $0x9;
	s13 =	sshll.u32 @!p0 s13, $0xE  }
0x17: {  	s15 =	simm.s32 @!p0 $0x0;
	s14 =	sadd.s32 @!p0 s2, s14;
	s13 =	sand.u32 @!p0 $0x4000, s13  }
0x18: {  	[tilespmem:s13], [sflag:$0x1] =	stream.linear.gather @!p0 [hbm4b:s14+s15], $0x4000, $0x38;
	[tilespmem:$0x10000] =	vst v63  }
0x19: {  	p0 =	sge.u32 s31, s6  }
.Ltmp2:
0x1a: {  	_ = 	snop;
	(pc) =	sbr.rel @p0 .LBB1_9-.Ltmp2, $1  }
0x1b: {  	_ =	sdelay $0x3  }
0x1c: {  	s14 =	sand.u32 $0x4000, s9  }
0x1d: {  	_ =	swait.ge [sflag:s5], $0x4000;
	s15 =	sshll.u32 s11, $0xE;
	s16 =	simm.s32 $0x0  }
0x1e: {  	s13 =	sor.u32 $0x40, s14;
	[sflag:s5] =	ssyncset.done $0x0;
	s15 =	sand.u32 $0x4000, s15  }
0x1f: {  	s14 =	sor.u32 $0x8040, s14;
	[sflag:s5] =	ssyncadd.s32 $0xFFFFC000;
	s15 =	sor.u32 $0x8000, s15  }
.LBB1_3:
0x20: {  	s17 =	smov.u32 s14;
	s18 =	smov.u32 s13;
	s19 =	simm.s32 $0x0  }
.LBB1_4:
0x21: {  	v0 =	vmov s17;
	v2 =	vld [tilespmem:s18+$0x30]  }
0x22: {  	v4 =	vld [tilespmem:s18+$0xFFFFFFD0]  }
0x23: {  	v6 =	vld [tilespmem:s18+$0xFFFFFFE0]  }
0x24: {  	v7 =	vld [tilespmem:s18+$0xFFFFFFF0]  }
0x25: {  	s20 =	simm.s32 $0x0;
	v1 =	vld [tilespmem:s18+$0x0]  }
0x26: {  	v3 =	vld [tilespmem:s18+$0x10];
	[tilespmem:v0+s20+$0x30 ss:$0x1] =	vst.idx.msk $0xffff, v2  }
0x27: {  	v5 =	vld [tilespmem:s18+$0x20];
	[tilespmem:v0+s20+$0xFFFFFFD0 ss:$0x1] =	vst.idx.msk $0xffff, v4  }
0x28: {  	s21 =	sadd.s32 $0x80, s18;
	v2 =	vld [tilespmem:s18+$0xFFFFFFC0];
	[tilespmem:v0+s20+$0xFFFFFFE0 ss:$0x1] =	vst.idx.msk $0xffff, v6  }
0x29: {  	s22 =	simm.s32 $0x800;
	s23 =	simm.s32 $0x1000;
	v4 =	vld [tilespmem:s21+$0x30];
	[tilespmem:v0+s20+$0xFFFFFFF0 ss:$0x1] =	vst.idx.msk $0xffff, v7  }
.LBB1_5:
0x2a: {  	p0 =	sne.s32 s23, $0x3800;
	v6 =	vld [tilespmem:s21+$0xFFFFFFD0];
	[tilespmem:v0+s20+$0x0 ss:$0x1] =	vst.idx.msk $0xffff, v1  }
0x2b: {  	v7 =	vld [tilespmem:s21+$0xFFFFFFE0];
	[tilespmem:v0+s20+$0x10 ss:$0x1] =	vst.idx.msk $0xffff, v3  }
0x2c: {  	v8 =	vld [tilespmem:s21+$0xFFFFFFF0];
	[tilespmem:v0+s20+$0x20 ss:$0x1] =	vst.idx.msk $0xffff, v5  }
.Ltmp3:
0x2d: {  	v1 =	vld [tilespmem:s21+$0x0];
	[tilespmem:v0+s20+$0xFFFFFFC0 ss:$0x1] =	vst.idx.msk $0xffff, v2;
	s20 =	sshra.s32 s22, $0x2;
	s22 =	smov.u32 s23;
	(pc) =	sbr.rel @p0 .LBB1_5-.Ltmp3, $4  }
0x2e: {  	v3 =	vld [tilespmem:s21+$0x10];
	[tilespmem:v0+s20+$0x30 ss:$0x1] =	vst.idx.msk $0xffff, v4  }
0x2f: {  	[tilespmem:v0+s20+$0xFFFFFFD0 ss:$0x1] =	vst.idx.msk $0xffff, v6;
	v5 =	vld [tilespmem:s21+$0x20]  }
0x30: {  	v2 =	vld [tilespmem:s21+$0xFFFFFFC0];
	[tilespmem:v0+s20+$0xFFFFFFE0 ss:$0x1] =	vst.idx.msk $0xffff, v7;
	s21 =	sadd.s32 $0x80, s21  }
0x31: {  	s23 =	sadd.s32 $0x800, s23;
	v4 =	vld [tilespmem:s21+$0x30];
	[tilespmem:v0+s20+$0xFFFFFFF0 ss:$0x1] =	vst.idx.msk $0xffff, v8  }
0x32: {  	_ =	sdelay $0x3  }
0x33: {  	v6 =	vld [tilespmem:s21+$0xFFFFFFD0];
	[tilespmem:v0+s20+$0x0 ss:$0x1] =	vst.idx.msk $0xffff, v1  }
0x34: {  	v58 =	vld [tilespmem:s21+$0xFFFFFFE0];
	[tilespmem:v0+s20+$0x10 ss:$0x1] =	vst.idx.msk $0xffff, v3  }
0x35: {  	v59 =	vld [tilespmem:s21+$0xFFFFFFF0];
	[tilespmem:v0+s20+$0x20 ss:$0x1] =	vst.idx.msk $0xffff, v5  }
0x36: {  	s22 =	sshra.s32 s22, $0x2;
	v60 =	vld [tilespmem:s21+$0x0];
	[tilespmem:v0+s20+$0xFFFFFFC0 ss:$0x1] =	vst.idx.msk $0xffff, v2  }
0x37: {  	v61 =	vld [tilespmem:s21+$0x10];
	[tilespmem:v0+s22+$0x30 ss:$0x1] =	vst.idx.msk $0xffff, v4  }
0x38: {  	v62 =	vld [tilespmem:s21+$0x20];
	s19 =	sadd.s32 $0x1, s19;
	[tilespmem:v0+s22+$0xFFFFFFD0 ss:$0x1] =	vst.idx.msk $0xffff, v6  }
0x39: {  	v63 =	vld [tilespmem:s21+$0xFFFFFFC0];
	p0 =	sne.s32 s19, $0x4;
	[tilespmem:v0+s22+$0xFFFFFFE0 ss:$0x1] =	vst.idx.msk $0xffff, v58  }
.Ltmp4:
0x3a: {  	[tilespmem:v0+s22+$0xFFFFFFF0 ss:$0x1] =	vst.idx.msk $0xffff, v59;
	(pc) =	sbr.rel @p0 .LBB1_4-.Ltmp4, $4  }
0x3b: {  	[tilespmem:v0+s22+$0x0 ss:$0x1] =	vst.idx.msk $0xffff, v60  }
0x3c: {  	[tilespmem:v0+s22+$0x10 ss:$0x1] =	vst.idx.msk $0xffff, v61  }
0x3d: {  	[tilespmem:v0+s22+$0x20 ss:$0x1] =	vst.idx.msk $0xffff, v62  }
0x3e: {  	s18 =	sadd.s32 $0x400, s18;
	s17 =	sadd.s32 $0x80, s17;
	[tilespmem:v0+s22+$0xFFFFFFC0 ss:$0x1] =	vst.idx.msk $0xffff, v63  }
0x3f: {  	s16 =	sadd.s32 $0x1, s16  }
0x40: {  	p0 =	sne.s32 s16, $0x4  }
.Ltmp5:
0x41: {  	_ = 	snop;
	(pc) =	sbr.rel @p0 .LBB1_3-.Ltmp5, $2  }
0x42: {  	_ =	sdelay $0x2  }
0x43: {  	s13 =	sadd.s32 $0x1000, s13;
	s14 =	sadd.s32 $0x1000, s14  }
.Ltmp6:
0x44: {  	(pc) =	sbr.rel .LBB1_9-.Ltmp6, $4  }
0x45: {  	_ = 	snop  }
0x46: {  	s12 =	sshll.u32 s12, $0x9  }
0x47: {  	s12 =	sadd.s32 s4, s12  }
0x48: {  	[hbm4b:s12+s8] =	stream.linear.scatter [tilespmem:s15], [sflag:$0x2], $0x4000, $0x38;
	[tilespmem:$0x10000] =	vst v63  }
.LBB1_10:
0x49: {  	_ =	sfence.sel $0x180000  }
0x4a: {  	s2 =	simm.s32 $0x1;
	[bflag:$0x0] =	sbarrier.arrive $0xFFFF  }
0x4b: {  	s31 =	simm.s32 $0x2;
	[sflag:s2] =	ssyncpa.u1 $0x1  }
0x4c: {  	[sflag:s31] =	ssyncpa.u1 $0x1  }
0x4d: {  	p0 =	sne.s32 s0, $0x0;
	_ =	strace $0x90000047  }
0x4e: {  	s0 =	sadd.s32 @!p0 $0x100000, s1;
	[bflag:$0x2] =	sbarrier.arrive $0xFFFF  }
0x4f: {  	[sflag:s0] =	ssyncadd.tile.s32 @!p0 $0x1;
	_ =	shalt  }
.Lfunc_end1:
_tile_overlayer_lowered:
.L_overlay_start_2:
0x50: {  	(tag) =	ssettag $0x2  }
0x51: {  	s0 =	rddreg [dreg:$0x0];
	s2 =	stileid.u32  }
0x52: {  	s1 =	rddreg [dreg:$0x1];
	p0 =	sne.s32 s2, $0x0  }
0x53: {  	s3 =	rddreg [dreg:$0x2];
	[bflag:$0x3] =	sbarrier.arrive $0xFFFF;
	s2 =	simm.s32 @!p0 $0x1C01  }
0x54: {  	[timem:s3], [sflag:s2] =	dma.local @!p0 [hbm:s0], s1  }
0x55: {  	s0 =	simm.s32 @!p0 $0x1  }
0x56: {  	_ =	swait.ge @!p0 [sflag:s0], s1  }
0x57: {  	s1 =	ssub.s32 @!p0 $0x0, s1;
	[sflag:s0] =	ssyncset.done @!p0 $0x0  }
0x58: {  	[sflag:s0] =	ssyncadd.s32 @!p0 s1  }
0x59: {  	[bflag:$0x3] =	sbarrier.arrive $0xFFFF  }
0x5a: {  	_ =	shalt  }

// kernel: sparse-core-data-format-call.cloned.1.call-start
scs
called_computation_lowered:
.L_overlay_start_0:
0x0: {  	s2 =	sld [smem:$0x3FD9]  }
0x1: {  	s3 =	sld [smem:$0x3FFE];
	_ =	sdelay $0x1  }
0x2: {  	s1 =	srdreg.scid  }
0x3: {  	s0 =	sand.u32 $0x1, s1  }
0x4: {  	s18 =	sshll.u32 s0, $0xA;
	s2 =	sadd.s32 s3, s2  }
0x5: {  	s2 =	sadd.s32 s2, s18  }
0x6: {  	[smem:$0x3FC5] =	sst s2  }
0x7: {  	_ = 	snop  }
0x8: {  	s2 =	sld [smem:$0x3FD0];
	(tm) =	ssettm $0x1  }
0x9: {  	s19 =	sld [smem:$0x3FFB];
	_ =	sdelay $0x3  }
0xa: {  	_ =	strace s19  }
0xb: {  	s3 =	sld [smem:$0x3FFC];
	_ =	sdelay $0x3  }
0xc: {  	_ =	strace s3  }
0xd: {  	s3 =	sld [smem:$0x3FFD];
	_ =	sdelay $0x3  }
0xe: {  	_ =	strace s3  }
0xf: {  	_ =	strace $0x8FFFFFFF  }
0x10: {  	s20 =	sld [smem:$0x3FDB];
	_ =	sdelay $0x1  }
0x11: {  	s4 =	simm.s32 $_scs_section_size  }
0x12: {  	s5 =	simm.s32 $_size__tile_overlayer_lowered;
	s6 =	simm.s32 $_tile_overlayer_lowered  }
0x13: {  	s23 =	simm.s32 $0x1BFF;
	s22 =	sshll.u32 s6, $0x1;
	s3 =	sadd.s32 s4, s20  }
0x14: {  	s7 =	simm.s32 $0x0;
	s21 =	sshll.u32 s5, $0x1;
	s5 =	sadd.s32 s22, s3  }
0x15: {  	[timem:s7], [sflag:s23] =	dma.local [hbm:s5], s21  }
0x16: {  	_ =	swait.ge [sflag:s23], s21  }
0x17: {  	s4 =	ssub.s32 $0x0, s21;
	[sflag:s23] =	ssyncset.done $0x0  }
0x18: {  	[sflag:s23] =	ssyncadd.s32 s4;
	_ =	sdelay $0x1  }
0x19: {  	s24 =	simm.s32 $0x1B8B  }
0x1a: {  	_ =	swait.ge [sflag:s24], $0x1  }
0x1b: {  	[sflag:s24] =	ssyncset.done $0x0  }
0x1c: {  	s26 =	simm.s32 $0x1B8E;
	s25 =	sld [smem:$0x3FFE];
	[sflag:s24] =	ssyncadd.s32 $0xFFFFFFFF  }
0x1d: {  	s27 =	simm.s32 $execute0_lowered;
	[smem:$0x3FD2] =	sst s26  }
0x1e: {  	s5 =	sshll.u32 s27, $0x1;
	_ =	strace $0x8000004C;
	[dreg:$0x1] =	wrdreg $0xFFFFFFFF  }
0x1f: {  	s28 =	simm.s32 $_size_execute0_lowered;
	s3 =	sadd.s32 s3, s5;
	[dreg:$0x0] =	wrdreg $0x0  }
0x20: {  	s5 =	sshll.u32 s28, $0x1;
	[dreg:$0x2] =	wrdreg s3  }
0x21: {  	[dreg:$0x3] =	wrdreg s5  }
0x22: {  	[dreg:$0x4] =	wrdreg $0xC0  }
0x23: {  	_ =	task [dreg:s7], $0x5FFFF  }
0x24: {  	[dreg:$0x1] =	wrdreg $0xFFFFFFFF  }
0x25: {  	[dreg:$0x0] =	wrdreg $0x60  }
0x26: {  	[dreg:$0x2] =	wrdreg s25  }
0x27: {  	[dreg:$0x3] =	wrdreg s2  }
0x28: {  	[dreg:$0x4] =	wrdreg $0x9  }
0x29: {  	_ =	task.clear_ibuf [dreg:s7], $0x5FFFF;
	_ =	strace $0x9000004C  }
0x2a: {  	s29 =	simm.s32 $0x9;
	_ =	strace $0x8000004E  }
0x2b: {  	_ =	swait.ge [sflag:s29], $0x1  }
0x2c: {  	[sflag:s29] =	ssyncadd.s32 $0xFFFFFFFF  }
0x2d: {  	_ =	strace $0x9000004E  }
0x2e: {  	_ =	sfence  }
0x2f: {  	s30 =	sld [smem:$0x0];
	_ =	sdelay $0x2  }
0x30: {  	s31 =	sshll.u32 s1, $0xD;
	s1 =	sshrl.u32 s1, $0x2  }
0x31: {  	s3 =	sand.u32 $0x4000, s31;
	s1 =	sadd.s32 s1, s30  }
0x32: {  	s0 =	sor.u32 s3, s0;
	s1 =	sshll.u32 s1, $0x11  }
0x33: {  	s0 =	sor.u32 s1, s0  }
0x34: {  	s0 =	sadd.s32 $0x8F2B, s0  }
0x35: {  	[sflag:s0] =	ssyncadd.remote.s32 $0x1  }
0x36: {  	_ =	sfence.sel $0xFFFF  }
0x37: {  	[dreg:$0x0] =	wrdreg $0xFFFFFFFF;
	(pc) =	sbr.abs _section_cstart, $3  }
0x38: {  	[dreg:$0x1] =	wrdreg $0xFFFFFFFF  }
0x39: {  	_ =	task.clear_ibuf [dreg:s7], $0x2FFFF;
	_ =	strace $0x9FFFFFFF  }
0x3a: {  	(tm) =	ssettm $0x7FFFFFFF  }
0x3b: {  	_ =	shalt  }
tec
execute0_lowered:
.L_overlay_start_1:
0x0: {  	(tag) =	ssettag $0x1  }
0x1: {  	s0 =	srdreg.scid  }
0x2: {  	s1 =	sshll.u32 s0, $0x4  }
0x3: {  	s6 =	rddreg [dreg:$0x0];
	s0 =	stileid.u32;
	s1 =	sand.u32 $0x10, s1  }
0x4: {  	s3 =	rddreg [dreg:$0x1];
	s1 =	sor.u32 s0, s1  }
0x5: {  	s5 =	simm.s32 $0x1;
	s31 =	simm.s32 $0x2;
	s2 =	sshll.u32 s1, $0x7  }
0x6: {  	s14 =	simm.s32 $0x0;
	s8 =	simm.s32 $0x1000;
	s4 =	ssub.s32 $0x1000, s2  }
0x7: {  	s9 =	simm.s32 $0x0;
	s15 =	simm.s32 $0x0;
	s30 =	sand.u32 $0xF80, s4  }
0x8: {  	s16 =	simm.s32 $0x0;
	s10 =	simm.s32 $0x0;
	p0 =	sne.s32 s30, $0x0  }
.Ltmp0:
0x9: {  	s7 =	sshrl.u32 s4, $0xC;
	s5 =	simm.s32 @!p0 $0x0;
	(pc) =	sbr.rel .LBB1_1-.Ltmp0, $4  }
0xa: {  	s11 =	simm.s32 $0x0;
	s1 =	rddreg [dreg:$0x2];
	s5 =	sadd.s32 s5, s7  }
0xb: {  	_ =	strace $0x8000004D;
	s4 =	simm.s32 $0x1;
	s5 =	smul.u32 $0x134, s5  }
0xc: {  	s13 =	simm.s32 $0x0;
	s6 =	sadd.s32 $0x1400, s6;
	[sflag:s4] =	ssyncpa.u1 $0x0  }
0xd: {  	s12 =	smov.u32 s2;
	[sflag:s31] =	ssyncpa.u1 $0x0;
	s7 =	sor.u32 $0x1, s5  }
.LBB1_4:
0xe: {  	_ =	sdelay $0x3  }
0xf: {  	[tilespmem:v0+s19+$0xFFFFFFD0 ss:$0x1] =	vst.idx.msk $0xffff, v6  }
0x10: {  	v56 =	vld.idx.msk [tilespmem:v1+s18+$0x0 ss:$0x1], $0xffff;
	[tilespmem:v0+s19+$0xFFFFFFE0 ss:$0x1] =	vst.idx.msk $0xffff, v4  }
0x11: {  	v57 =	vld.idx.msk [tilespmem:v1+s18+$0xFFFFFF90 ss:$0x1], $0xffff;
	[tilespmem:v0+s19+$0xFFFFFFF0 ss:$0x1] =	vst.idx.msk $0xffff, v2  }
0x12: {  	v58 =	vld.idx.msk [tilespmem:v1+s18+$0xFFFFFFA0 ss:$0x1], $0xffff;
	[tilespmem:v0+s19+$0x0 ss:$0x1] =	vst.idx.msk $0xffff, v3  }
0x13: {  	v59 =	vld.idx.msk [tilespmem:v1+s18+$0xFFFFFFB0 ss:$0x1], $0xffff;
	[tilespmem:v0+s19+$0x10 ss:$0x1] =	vst.idx.msk $0xffff, v5  }
0x14: {  	v60 =	vld.idx.msk [tilespmem:v1+s18+$0xFFFFFFC0 ss:$0x1], $0xffff;
	[tilespmem:v0+s19+$0x20 ss:$0x1] =	vst.idx.msk $0xffff, v7  }
0x15: {  	v61 =	vld.idx.msk [tilespmem:v1+s18+$0xFFFFFFD0 ss:$0x1], $0xffff;
	s27 =	sshll.u32 s16, $0x9;
	[tilespmem:v0+s18+$0x30 ss:$0x1] =	vst.idx.msk $0xffff, v56  }
0x16: {  	s20 =	sshll.u32 s14, $0x3;
	v62 =	vld.idx.msk [tilespmem:v1+s18+$0xFFFFFFE0 ss:$0x1], $0xffff;
	s28 =	sshll.u32 s16, $0x7;
	s30 =	sand.u32 $0x78, s14;
	[tilespmem:v0+s18+$0xFFFFFFC0 ss:$0x1] =	vst.idx.msk $0xffff, v57  }
0x17: {  	v63 =	vld.idx.msk [tilespmem:v1+s18+$0xFFFFFFF0 ss:$0x1], $0xffff;
	s15 =	sshll.u32 s15, $0x12;
	s19 =	sand.u32 $0x1FF000, s27;
	s20 =	sand.u32 $0x1FFC00, s20;
	[tilespmem:v0+s18+$0xFFFFFFD0 ss:$0x1] =	vst.idx.msk $0xffff, v58  }
0x18: {  	s29 =	sand.u32 $0x200, s28;
	s16 =	sand.u32 $0x180, s28;
	s19 =	sadd.s32 s19, s20;
	[tilespmem:v0+s18+$0xFFFFFFE0 ss:$0x1] =	vst.idx.msk $0xffff, v59  }
0x19: {  	s31 =	sand.u32 $0x7, s14;
	s16 =	sor.u32 s16, s30;
	s19 =	sor.u32 s29, s19;
	[tilespmem:v0+s18+$0xFFFFFFF0 ss:$0x1] =	vst.idx.msk $0xffff, v60  }
0x1a: {  	s15 =	sadd.s32 s3, s15;
	s16 =	sshrl.u32 s16, $0x3;
	s19 =	sshrl.u32 s19, $0x3;
	[tilespmem:v0+s18+$0x0 ss:$0x1] =	vst.idx.msk $0xffff, v61  }
0x1b: {  	s14 =	sshll.u32 s31, $0x12;
	s15 =	sadd.s32 s16, s15;
	[tilespmem:v0+s18+$0x10 ss:$0x1] =	vst.idx.msk $0xffff, v62;
	s19 =	sand.u32 $0x3FFC0, s19  }
0x1c: {  	s14 =	sor.u32 $0x400, s14;
	[tilespmem:v0+s18+$0x20 ss:$0x1] =	vst.idx.msk $0xffff, v63;
	s15 =	sadd.s32 s19, s15  }
0x1d: {  	[hbm4b:s15+s14] =	stream.strided.scatter [tilespmem:s17], [sflag:$0x2], $0x4000, s8, s14, $0x38;
	[tilespmem:$0x10000] =	vst v63  }
.LBB1_5:
0x1e: {  	s17 =	sadd.s32 $0x80, s10  }
0x1f: {  	s14 =	simm.s32 $0x1;
	p1 =	sgt.s32 s17, $0x1FF  }
0x20: {  	s14 =	simm.s32 @!p1 $0x0  }
0x21: {  	s18 =	sadd.s32 s14, s11  }
0x22: {  	s20 =	smov.u32 s12;
	s14 =	sadd.s32 $0x1000, s12;
	p2 =	sgt.s32 s18, $0x4C  }
0x23: {  	s20 =	smov.u32 @p2 s14  }
0x24: {  	p0 =	slt.u32 s13, $0x2;
	s17 =	simm.s32 @p1 $0x0;
	p1 =	sgt.s32 s20, $0xFFF  }
0x25: {  	s19 =	simm.s32 @!p0 $0x2;
	s20 =	smov.u32 @p1 s2;
	p1 =	sne.s32 s13, s7  }
.Ltmp1:
0x26: {  	_ =	swait.ge @!p0 [sflag:s19], $0x4000;
	(pc) =	sbr.rel @!p1 .LBB1_6-.Ltmp1, $4  }
0x27: {  	s15 =	smov.u32 s11;
	[sflag:s19] =	ssyncset.done @!p0 $0x0  }
0x28: {  	s16 =	smov.u32 s12;
	s9 =	sadd.s32 $0x4000, s9;
	[sflag:s19] =	ssyncadd.s32 @!p0 $0xFFFFC000  }
0x29: {  	s18 =	simm.s32 @p2 $0x0;
	s14 =	smov.u32 s10;
	s10 =	smov.u32 s17  }
0x2a: {  	s11 =	smov.u32 s18;
	s13 =	sadd.s32 $0x1, s13;
	s12 =	smov.u32 s20  }
.LBB1_1:
0x2b: {  	p0 =	sge.u32 s13, s5  }
0x2c: {  	s17 =	sshll.u32 @!p0 s11, $0x9;
	s18 =	sshll.u32 @!p0 s10, $0x3  }
0x2d: {  	s19 =	sshll.u32 @!p0 s11, $0x7;
	s17 =	sand.u32 @!p0 $0xFFFFF000, s17;
	s18 =	sand.u32 @!p0 $0xFFFFFC00, s18  }
0x2e: {  	s17 =	sadd.s32 @!p0 s17, s18;
	s18 =	sand.u32 @!p0 $0x200, s19  }
0x2f: {  	s17 =	sor.u32 @!p0 s18, s17  }
0x30: {  	s17 =	sshrl.u32 @!p0 s17, $0x9  }
0x31: {  	s31 =	sadd.s32 $0xFFFFFFFF, s13;
	s18 =	smulhi.u32 @!p0 $0x3333334, s17  }
0x32: {  	s20 =	sxor.u32 @!p0 $0xFFFFFFFF, s13;
	s21 =	sand.u32 @!p0 $0x78, s10;
	s22 =	smul.u32 @!p0 $0x1400, s12  }
0x33: {  	s20 =	sshll.u32 @!p0 s20, $0xE;
	s19 =	sand.u32 @!p0 $0x180, s19;
	s18 =	smul.u32 @!p0 $0x50, s18  }
0x34: {  	s20 =	sand.u32 @!p0 $0x4000, s20;
	s19 =	sor.u32 @!p0 s21, s19;
	s21 =	sand.u32 @!p0 $0x7, s10  }
0x35: {  	s17 =	ssub.s32 @!p0 s17, s18;
	s18 =	sshrl.u32 @!p0 s19, $0x3;
	s19 =	sadd.s32 @!p0 s6, s22  }
0x36: {  	s17 =	sshll.u32 @!p0 s17, $0x6;
	s18 =	sadd.s32 @!p0 s18, s19;
	s19 =	sshll.u32 @!p0 s21, $0x12  }
0x37: {  	s17 =	sadd.s32 @!p0 s17, s18;
	s18 =	sor.u32 @!p0 $0x80, s19;
	s19 =	simm.s32 @!p0 $0xA000  }
0x38: {  	[tilespmem:s20], [sflag:$0x1] =	stream.strided.gather @!p0 [hbm4b:s17+s18], $0x4000, s19, s18, $0x38;
	[tilespmem:$0x10000] =	vst v63  }
0x39: {  	p0 =	sge.u32 s31, s5  }
.Ltmp2:
0x3a: {  	_ = 	snop;
	(pc) =	sbr.rel @p0 .LBB1_5-.Ltmp2, $1  }
0x3b: {  	_ =	sdelay $0x3  }
0x3c: {  	s17 =	sand.u32 $0x4000, s9  }
0x3d: {  	s18 =	sor.u32 $0x70, s17  }
0x3e: {  	v1 =	vmov s18;
	_ =	sdelay $0x1  }
0x3f: {  	_ =	swait.ge [sflag:s4], $0x4000  }
0x40: {  	[sflag:s4] =	ssyncset.done $0x0  }
0x41: {  	s19 =	simm.s32 $0x0;
	[sflag:s4] =	ssyncadd.s32 $0xFFFFC000  }
0x42: {  	s17 =	sor.u32 $0x8040, s17;
	v7 =	vld.idx.msk [tilespmem:v1+s19+$0x0 ss:$0x1], $0xffff  }
0x43: {  	v0 =	vmov s17;
	v8 =	vld.idx.msk [tilespmem:v1+s19+$0xFFFFFF90 ss:$0x1], $0xffff  }
0x44: {  	v6 =	vld.idx.msk [tilespmem:v1+s19+$0xFFFFFFA0 ss:$0x1], $0xffff  }
0x45: {  	v4 =	vld.idx.msk [tilespmem:v1+s19+$0xFFFFFFB0 ss:$0x1], $0xffff  }
0x46: {  	v2 =	vld.idx.msk [tilespmem:v1+s19+$0xFFFFFFC0 ss:$0x1], $0xffff  }
0x47: {  	s31 =	sshll.u32 s13, $0xE;
	v3 =	vld.idx.msk [tilespmem:v1+s19+$0xFFFFFFD0 ss:$0x1], $0xffff  }
0x48: {  	s17 =	sand.u32 $0x4000, s31;
	v5 =	vld.idx.msk [tilespmem:v1+s19+$0xFFFFFFE0 ss:$0x1], $0xffff;
	[tilespmem:v0+s19+$0x30 ss:$0x1] =	vst.idx.msk $0xffff, v7  }
0x49: {  	s20 =	simm.s32 $0x400;
	s18 =	simm.s32 $0x80;
	s17 =	sor.u32 $0x8000, s17;
	[tilespmem:v0+s19+$0xFFFFFFC0 ss:$0x1] =	vst.idx.msk $0xffff, v8;
	v7 =	vld.idx.msk [tilespmem:v1+s19+$0xFFFFFFF0 ss:$0x1], $0xffff  }
.LBB1_3:
0x4a: {  	p0 =	sne.s32 s20, $0xFE00;
	v8 =	vld.idx.msk [tilespmem:v1+s18+$0x0 ss:$0x1], $0xffff;
	[tilespmem:v0+s19+$0xFFFFFFD0 ss:$0x1] =	vst.idx.msk $0xffff, v6  }
0x4b: {  	v9 =	vld.idx.msk [tilespmem:v1+s18+$0xFFFFFF90 ss:$0x1], $0xffff;
	[tilespmem:v0+s19+$0xFFFFFFE0 ss:$0x1] =	vst.idx.msk $0xffff, v4  }
0x4c: {  	v6 =	vld.idx.msk [tilespmem:v1+s18+$0xFFFFFFA0 ss:$0x1], $0xffff;
	[tilespmem:v0+s19+$0xFFFFFFF0 ss:$0x1] =	vst.idx.msk $0xffff, v2  }
.Ltmp3:
0x4d: {  	v4 =	vld.idx.msk [tilespmem:v1+s18+$0xFFFFFFB0 ss:$0x1], $0xffff;
	[tilespmem:v0+s19+$0x0 ss:$0x1] =	vst.idx.msk $0xffff, v3;
	(pc) =	sbr.rel @p0 .LBB1_3-.Ltmp3, $4  }
0x4e: {  	v2 =	vld.idx.msk [tilespmem:v1+s18+$0xFFFFFFC0 ss:$0x1], $0xffff;
	[tilespmem:v0+s19+$0x10 ss:$0x1] =	vst.idx.msk $0xffff, v5  }
0x4f: {  	v3 =	vld.idx.msk [tilespmem:v1+s18+$0xFFFFFFD0 ss:$0x1], $0xffff;
	[tilespmem:v0+s19+$0x20 ss:$0x1] =	vst.idx.msk $0xffff, v7;
	s19 =	smov.u32 s18  }
0x50: {  	v5 =	vld.idx.msk [tilespmem:v1+s19+$0xFFFFFFE0 ss:$0x1], $0xffff;
	[tilespmem:v0+s19+$0x30 ss:$0x1] =	vst.idx.msk $0xffff, v8  }
0x51: {  	s18 =	sshra.s32 s20, $0x2;
	s20 =	sadd.s32 $0x200, s20;
	[tilespmem:v0+s19+$0xFFFFFFC0 ss:$0x1] =	vst.idx.msk $0xffff, v9;
	v7 =	vld.idx.msk [tilespmem:v1+s19+$0xFFFFFFF0 ss:$0x1], $0xffff  }
.Ltmp4:
0x52: {  	_ = 	snop;
	(pc) =	sbr.rel .LBB1_4-.Ltmp4, $1  }
0x53: {  	_ =	sdelay $0x3  }
.LBB1_6:
0x54: {  	_ =	sfence.sel $0x180000  }
0x55: {  	s2 =	simm.s32 $0x1;
	[bflag:$0x0] =	sbarrier.arrive $0xFFFF  }
0x56: {  	s31 =	simm.s32 $0x2;
	[sflag:s2] =	ssyncpa.u1 $0x1  }
0x57: {  	[sflag:s31] =	ssyncpa.u1 $0x1  }
0x58: {  	p0 =	sne.s32 s0, $0x0;
	_ =	strace $0x9000004D  }
0x59: {  	s0 =	sadd.s32 @!p0 $0x100000, s1;
	[bflag:$0x2] =	sbarrier.arrive $0xFFFF  }
0x5a: {  	[sflag:s0] =	ssyncadd.tile.s32 @!p0 $0x1;
	_ =	shalt  }
.Lfunc_end1:
_tile_overlayer_lowered:
.L_overlay_start_2:
0x5b: {  	(tag) =	ssettag $0x2  }
0x5c: {  	s0 =	rddreg [dreg:$0x0];
	s2 =	stileid.u32  }
0x5d: {  	s1 =	rddreg [dreg:$0x1];
	p0 =	sne.s32 s2, $0x0  }
0x5e: {  	s3 =	rddreg [dreg:$0x2];
	[bflag:$0x3] =	sbarrier.arrive $0xFFFF;
	s2 =	simm.s32 @!p0 $0x1C01  }
0x5f: {  	[timem:s3], [sflag:s2] =	dma.local @!p0 [hbm:s0], s1  }
0x60: {  	s0 =	simm.s32 @!p0 $0x1  }
0x61: {  	_ =	swait.ge @!p0 [sflag:s0], s1  }
0x62: {  	s1 =	ssub.s32 @!p0 $0x0, s1;
	[sflag:s0] =	ssyncset.done @!p0 $0x0  }
0x63: {  	[sflag:s0] =	ssyncadd.s32 @!p0 s1  }
0x64: {  	[bflag:$0x3] =	sbarrier.arrive $0xFFFF  }
0x65: {  	_ =	shalt  }

</sc_bundles>
